<compile_context>
chip_gen: v7x
topology: tpu7x:2x2x1
jax: 0.10.2.dev20260603
libtpu: 0.0.44.dev20260713+nightly
codegen_flags: <defaults>
</compile_context>

<pallas_src>
import functools

import jax
import jax.numpy as jnp
from jax import lax
from jax.experimental import pallas as pl
from jax.experimental.pallas import tpu as pltpu
from jax.experimental.pallas import tpu_sc as plsc

K = 100000
D = 16
B = 16384
RG = 8
G = K // RG

NC = 2
NS = 16
NW = NC * NS
CH = B // NW
GCH = 128
NG = CH // GCH


def _sc_logreg(xt_hbm, a_hbm, m_hbm, out_hbm, idx_v, gidx_v, grp_v, xt_v,
               out_v, sem):
    cid = lax.axis_index("c")
    sid = lax.axis_index("s")
    wid = sid * NC + cid
    base = wid * CH

    pltpu.sync_copy(a_hbm.at[pl.ds(base, CH)], idx_v)
    for i in range(CH // 16):
        gidx_v[pl.ds(i * 16, 16)] = lax.shift_right_logical(
            idx_v[pl.ds(i * 16, 16)], 3
        )

    copies = []
    for j in range(NG):
        copies.append(
            pltpu.async_copy(
                m_hbm.at[gidx_v.at[pl.ds(j * GCH, GCH)]],
                grp_v.at[pl.ds(j * GCH, GCH)],
                sem,
            )
        )
    pltpu.sync_copy(xt_hbm.at[:, pl.ds(base, CH)], xt_v)

    lanes = lax.iota(jnp.int32, 16)

    def block(blk, _):
        row_ids = blk * 16 + lanes
        idx16 = idx_v[pl.ds(blk * 16, 16)]
        off = (idx16 & 7) * D
        acc = jnp.zeros((16,), jnp.float32)
        for d in range(D):
            xv = xt_v[d, pl.ds(blk * 16, 16)]
            gv = plsc.load_gather(grp_v, [row_ids, off + d])
            acc = acc + xv * gv
        out_v[pl.ds(blk * 16, 16)] = 1.0 / (1.0 + jnp.exp(-acc))
        return _

    for j in range(NG):
        copies[j].wait()
        lax.fori_loop(j * (GCH // 16), (j + 1) * (GCH // 16), block, 0)

    pltpu.sync_copy(out_v, out_hbm.at[pl.ds(base, CH)])


@functools.partial(
    pl.kernel,
    mesh=plsc.VectorSubcoreMesh(core_axis_name="c", subcore_axis_name="s"),
    compiler_params=pltpu.CompilerParams(
        needs_layout_passes=False, use_tc_tiling_on_sc=True
    ),
    out_type=jax.ShapeDtypeStruct((B,), jnp.float32),
    scratch_types=[
        pltpu.VMEM((CH,), jnp.int32),
        pltpu.VMEM((CH,), jnp.int32),
        pltpu.VMEM((CH, RG * D), jnp.float32),
        pltpu.VMEM((D, CH), jnp.float32),
        pltpu.VMEM((CH,), jnp.float32),
        pltpu.SemaphoreType.DMA,
    ],
)
def _logreg_kernel(xt_hbm, a_hbm, m_hbm, out_hbm, idx_v, gidx_v, grp_v, xt_v,
                   out_v, sem):
    _sc_logreg(xt_hbm, a_hbm, m_hbm, out_hbm, idx_v, gidx_v, grp_v, xt_v,
               out_v, sem)


def kernel(X, A, m):
    return _logreg_kernel(
        X.T, A.astype(jnp.int32), m.reshape(G, RG * D)
    )

# --- scband reference (transcript-rebuilt; emitter-appended) ---
"""Pipeline reference for scband-logistic-regression-17205638987946 (READ-ONLY COPY).

The authoritative reference and input builder live on the scoring server;
editing this copy changes nothing except your own understanding.
"""

import jax, jax.numpy as jnp
import numpy as np

K = 100000
D = 16
B = 16384

def setup_inputs(seed: int = 0) -> dict:
    key = jax.random.key(seed)
    k1, k2, k3 = jax.random.split(key, 3)
    X = jax.random.normal(k1, (B, D), dtype=jnp.float32)
    A = jax.random.randint(k2, (B,), 0, K, dtype=jnp.int64)
    # kaiming_uniform_ on m [K, D]: bound = sqrt(6 / fan_in), fan_in = D (default a=sqrt(5) gives gain-adjusted bound)
    gain = np.sqrt(2.0 / (1.0 + 5.0))
    bound = gain * np.sqrt(3.0 / D)
    m = jax.random.uniform(k3, (K, D), dtype=jnp.float32, minval=-bound, maxval=bound)
    return {"X": X, "A": A, "m": m}

def reference(X, A, m):
    # forward: sigmoid(sum(X * m[A], dim=1))
    gathered = jnp.take(m, A, axis=0)
    return jax.nn.sigmoid(jnp.sum(X * gathered, axis=1))

if __name__ == "__main__":
    import jax
    _d = setup_inputs()
    print(jax.jit(kernel)(*tuple(_d.values())))

</pallas_src>

<mosaic_0001>
#map = affine_map<(d0, d1) -> (0, 0)>
#map1 = affine_map<(d0, d1) -> (0)>
module attributes {stable_mosaic.version = 14 : i64} {
  func.func @_logreg_kernel(%arg0: i32, %arg1: i32, %arg2: memref<16x16384xf32, #tpu.memory_space<hbm>>, %arg3: memref<16384xi32, #tpu.memory_space<hbm>>, %arg4: memref<12500x128xf32, #tpu.memory_space<hbm>>, %arg5: memref<16384xf32, #tpu.memory_space<hbm>>, %arg6: memref<512xi32, #tpu.memory_space<vmem>>, %arg7: memref<512xi32, #tpu.memory_space<vmem>>, %arg8: memref<512x128xf32, #tpu.memory_space<vmem>>, %arg9: memref<16x512xf32, #tpu.memory_space<vmem>>, %arg10: memref<512xf32, #tpu.memory_space<vmem>>, %arg11: memref<!tpu.dma_semaphore, #tpu.memory_space<semaphore_mem>>) attributes {dimension_semantics = [#tpu.dimension_semantics<core_parallel>, #tpu.dimension_semantics<subcore_parallel>], iteration_bounds = array<i64: 2, 16>, scalar_prefetch = 0 : i64, scratch_operands = 6 : i64, tpu.core_type = #tpu.core_type<sc_vector_subcore>, window_params = [{transform_indices = #map}, {transform_indices = #map1}, {transform_indices = #map}, {transform_indices = #map1}]} {
    %mul3A = arith.constant 2 : i32
    %mul3A_0 = arith.muli %arg1, %mul3A : i32
    %add3A = arith.addi %mul3A_0, %arg0 : i32
    %mul3A_1 = arith.constant 512 : i32
    %mul3A_2 = arith.muli %add3A, %mul3A_1 : i32
    "tpu.region"() ({
      %run_scoped3A = tpu.sem_alloc : memref<!tpu.dma_semaphore, #tpu.memory_space<semaphore_mem>>
      %dma_start3A_309 = tpu.memref_slice %arg3[%mul3A_2] : memref<16384xi32, #tpu.memory_space<hbm>> -> memref<512xi32, #tpu.memory_space<hbm>>
      %dma_start3A_310 = tpu.memref_slice %arg3[%mul3A_2] : memref<16384xi32, #tpu.memory_space<hbm>> -> memref<512xi32, #tpu.memory_space<hbm>>
      tpu.enqueue_dma source(%dma_start3A_310 : memref<512xi32, #tpu.memory_space<hbm>>) target(%arg6 : memref<512xi32, #tpu.memory_space<vmem>>) target_semaphore(%run_scoped3A : memref<!tpu.dma_semaphore, #tpu.memory_space<semaphore_mem>>)
      %dma_wait3A_311 = tpu.memref_slice %arg3[%mul3A_2] : memref<16384xi32, #tpu.memory_space<hbm>> -> memref<512xi32, #tpu.memory_space<hbm>>
      %dma_wait3A_312 = tpu.memref_slice %arg3[%mul3A_2] : memref<16384xi32, #tpu.memory_space<hbm>> -> memref<512xi32, #tpu.memory_space<hbm>>
      tpu.wait_dma2 semaphore(%run_scoped3A : memref<!tpu.dma_semaphore, #tpu.memory_space<semaphore_mem>>) src(%dma_wait3A_312 : memref<512xi32, #tpu.memory_space<hbm>>) dst(%arg6 : memref<512xi32, #tpu.memory_space<vmem>>)
      tpu.yield
    }) : () -> ()
    %get3A = arith.constant 0 : index
    %get3A_3 = tpu.vector_load %arg6[%get3A] {strides = array<i32>} : memref<512xi32, #tpu.memory_space<vmem>>, vector<16xi32>,
    %shift_right_logical3A = arith.constant 3 : i32
    %shift_right_logical3A_4 = vector.broadcast %shift_right_logical3A : i32 to vector<16xi32>
    %shift_right_logical3A_5 = arith.shrui %get3A_3, %shift_right_logical3A_4 : vector<16xi32>
    %swap3A = arith.constant 0 : index
    %swap3A_6 = tpu.vector_load %arg7[%swap3A] {strides = array<i32>} : memref<512xi32, #tpu.memory_space<vmem>>, vector<16xi32>,
    tpu.vector_store %arg7[%swap3A], %shift_right_logical3A_5 {strides = array<i32>} : memref<512xi32, #tpu.memory_space<vmem>>, vector<16xi32>,
    %get3A_7 = arith.constant 16 : index
    %get3A_8 = tpu.vector_load %arg6[%get3A_7] {strides = array<i32>} : memref<512xi32, #tpu.memory_space<vmem>>, vector<16xi32>,
    %shift_right_logical3A_9 = arith.constant 3 : i32
    %shift_right_logical3A_10 = vector.broadcast %shift_right_logical3A_9 : i32 to vector<16xi32>
    %shift_right_logical3A_11 = arith.shrui %get3A_8, %shift_right_logical3A_10 : vector<16xi32>
    %swap3A_12 = arith.constant 16 : index
    %swap3A_13 = tpu.vector_load %arg7[%swap3A_12] {strides = array<i32>} : memref<512xi32, #tpu.memory_space<vmem>>, vector<16xi32>,
    tpu.vector_store %arg7[%swap3A_12], %shift_right_logical3A_11 {strides = array<i32>} : memref<512xi32, #tpu.memory_space<vmem>>, vector<16xi32>,
    %get3A_14 = arith.constant 32 : index
    %get3A_15 = tpu.vector_load %arg6[%get3A_14] {strides = array<i32>} : memref<512xi32, #tpu.memory_space<vmem>>, vector<16xi32>,
    %shift_right_logical3A_16 = arith.constant 3 : i32
    %shift_right_logical3A_17 = vector.broadcast %shift_right_logical3A_16 : i32 to vector<16xi32>
    %shift_right_logical3A_18 = arith.shrui %get3A_15, %shift_right_logical3A_17 : vector<16xi32>
    %swap3A_19 = arith.constant 32 : index
    %swap3A_20 = tpu.vector_load %arg7[%swap3A_19] {strides = array<i32>} : memref<512xi32, #tpu.memory_space<vmem>>, vector<16xi32>,
    tpu.vector_store %arg7[%swap3A_19], %shift_right_logical3A_18 {strides = array<i32>} : memref<512xi32, #tpu.memory_space<vmem>>, vector<16xi32>,
    %get3A_21 = arith.constant 48 : index
    %get3A_22 = tpu.vector_load %arg6[%get3A_21] {strides = array<i32>} : memref<512xi32, #tpu.memory_space<vmem>>, vector<16xi32>,
    %shift_right_logical3A_23 = arith.constant 3 : i32
    %shift_right_logical3A_24 = vector.broadcast %shift_right_logical3A_23 : i32 to vector<16xi32>
    %shift_right_logical3A_25 = arith.shrui %get3A_22, %shift_right_logical3A_24 : vector<16xi32>
    %swap3A_26 = arith.constant 48 : index
    %swap3A_27 = tpu.vector_load %arg7[%swap3A_26] {strides = array<i32>} : memref<512xi32, #tpu.memory_space<vmem>>, vector<16xi32>,
    tpu.vector_store %arg7[%swap3A_26], %shift_right_logical3A_25 {strides = array<i32>} : memref<512xi32, #tpu.memory_space<vmem>>, vector<16xi32>,
    %get3A_28 = arith.constant 64 : index
    %get3A_29 = tpu.vector_load %arg6[%get3A_28] {strides = array<i32>} : memref<512xi32, #tpu.memory_space<vmem>>, vector<16xi32>,
    %shift_right_logical3A_30 = arith.constant 3 : i32
    %shift_right_logical3A_31 = vector.broadcast %shift_right_logical3A_30 : i32 to vector<16xi32>
    %shift_right_logical3A_32 = arith.shrui %get3A_29, %shift_right_logical3A_31 : vector<16xi32>
    %swap3A_33 = arith.constant 64 : index
    %swap3A_34 = tpu.vector_load %arg7[%swap3A_33] {strides = array<i32>} : memref<512xi32, #tpu.memory_space<vmem>>, vector<16xi32>,
    tpu.vector_store %arg7[%swap3A_33], %shift_right_logical3A_32 {strides = array<i32>} : memref<512xi32, #tpu.memory_space<vmem>>, vector<16xi32>,
    %get3A_35 = arith.constant 80 : index
    %get3A_36 = tpu.vector_load %arg6[%get3A_35] {strides = array<i32>} : memref<512xi32, #tpu.memory_space<vmem>>, vector<16xi32>,
    %shift_right_logical3A_37 = arith.constant 3 : i32
    %shift_right_logical3A_38 = vector.broadcast %shift_right_logical3A_37 : i32 to vector<16xi32>
    %shift_right_logical3A_39 = arith.shrui %get3A_36, %shift_right_logical3A_38 : vector<16xi32>
    %swap3A_40 = arith.constant 80 : index
    %swap3A_41 = tpu.vector_load %arg7[%swap3A_40] {strides = array<i32>} : memref<512xi32, #tpu.memory_space<vmem>>, vector<16xi32>,
    tpu.vector_store %arg7[%swap3A_40], %shift_right_logical3A_39 {strides = array<i32>} : memref<512xi32, #tpu.memory_space<vmem>>, vector<16xi32>,
    %get3A_42 = arith.constant 96 : index
    %get3A_43 = tpu.vector_load %arg6[%get3A_42] {strides = array<i32>} : memref<512xi32, #tpu.memory_space<vmem>>, vector<16xi32>,
    %shift_right_logical3A_44 = arith.constant 3 : i32
    %shift_right_logical3A_45 = vector.broadcast %shift_right_logical3A_44 : i32 to vector<16xi32>
    %shift_right_logical3A_46 = arith.shrui %get3A_43, %shift_right_logical3A_45 : vector<16xi32>
    %swap3A_47 = arith.constant 96 : index
    %swap3A_48 = tpu.vector_load %arg7[%swap3A_47] {strides = array<i32>} : memref<512xi32, #tpu.memory_space<vmem>>, vector<16xi32>,
    tpu.vector_store %arg7[%swap3A_47], %shift_right_logical3A_46 {strides = array<i32>} : memref<512xi32, #tpu.memory_space<vmem>>, vector<16xi32>,
    %get3A_49 = arith.constant 112 : index
    %get3A_50 = tpu.vector_load %arg6[%get3A_49] {strides = array<i32>} : memref<512xi32, #tpu.memory_space<vmem>>, vector<16xi32>,
    %shift_right_logical3A_51 = arith.constant 3 : i32
    %shift_right_logical3A_52 = vector.broadcast %shift_right_logical3A_51 : i32 to vector<16xi32>
    %shift_right_logical3A_53 = arith.shrui %get3A_50, %shift_right_logical3A_52 : vector<16xi32>
    %swap3A_54 = arith.constant 112 : index
    %swap3A_55 = tpu.vector_load %arg7[%swap3A_54] {strides = array<i32>} : memref<512xi32, #tpu.memory_space<vmem>>, vector<16xi32>,
    tpu.vector_store %arg7[%swap3A_54], %shift_right_logical3A_53 {strides = array<i32>} : memref<512xi32, #tpu.memory_space<vmem>>, vector<16xi32>,
    %get3A_56 = arith.constant 128 : index
    %get3A_57 = tpu.vector_load %arg6[%get3A_56] {strides = array<i32>} : memref<512xi32, #tpu.memory_space<vmem>>, vector<16xi32>,
    %shift_right_logical3A_58 = arith.constant 3 : i32
    %shift_right_logical3A_59 = vector.broadcast %shift_right_logical3A_58 : i32 to vector<16xi32>
    %shift_right_logical3A_60 = arith.shrui %get3A_57, %shift_right_logical3A_59 : vector<16xi32>
    %swap3A_61 = arith.constant 128 : index
    %swap3A_62 = tpu.vector_load %arg7[%swap3A_61] {strides = array<i32>} : memref<512xi32, #tpu.memory_space<vmem>>, vector<16xi32>,
    tpu.vector_store %arg7[%swap3A_61], %shift_right_logical3A_60 {strides = array<i32>} : memref<512xi32, #tpu.memory_space<vmem>>, vector<16xi32>,
    %get3A_63 = arith.constant 144 : index
    %get3A_64 = tpu.vector_load %arg6[%get3A_63] {strides = array<i32>} : memref<512xi32, #tpu.memory_space<vmem>>, vector<16xi32>,
    %shift_right_logical3A_65 = arith.constant 3 : i32
    %shift_right_logical3A_66 = vector.broadcast %shift_right_logical3A_65 : i32 to vector<16xi32>
    %shift_right_logical3A_67 = arith.shrui %get3A_64, %shift_right_logical3A_66 : vector<16xi32>
    %swap3A_68 = arith.constant 144 : index
    %swap3A_69 = tpu.vector_load %arg7[%swap3A_68] {strides = array<i32>} : memref<512xi32, #tpu.memory_space<vmem>>, vector<16xi32>,
    tpu.vector_store %arg7[%swap3A_68], %shift_right_logical3A_67 {strides = array<i32>} : memref<512xi32, #tpu.memory_space<vmem>>, vector<16xi32>,
    %get3A_70 = arith.constant 160 : index
    %get3A_71 = tpu.vector_load %arg6[%get3A_70] {strides = array<i32>} : memref<512xi32, #tpu.memory_space<vmem>>, vector<16xi32>,
    %shift_right_logical3A_72 = arith.constant 3 : i32
    %shift_right_logical3A_73 = vector.broadcast %shift_right_logical3A_72 : i32 to vector<16xi32>
    %shift_right_logical3A_74 = arith.shrui %get3A_71, %shift_right_logical3A_73 : vector<16xi32>
    %swap3A_75 = arith.constant 160 : index
    %swap3A_76 = tpu.vector_load %arg7[%swap3A_75] {strides = array<i32>} : memref<512xi32, #tpu.memory_space<vmem>>, vector<16xi32>,
    tpu.vector_store %arg7[%swap3A_75], %shift_right_logical3A_74 {strides = array<i32>} : memref<512xi32, #tpu.memory_space<vmem>>, vector<16xi32>,
    %get3A_77 = arith.constant 176 : index
    %get3A_78 = tpu.vector_load %arg6[%get3A_77] {strides = array<i32>} : memref<512xi32, #tpu.memory_space<vmem>>, vector<16xi32>,
    %shift_right_logical3A_79 = arith.constant 3 : i32
    %shift_right_logical3A_80 = vector.broadcast %shift_right_logical3A_79 : i32 to vector<16xi32>
    %shift_right_logical3A_81 = arith.shrui %get3A_78, %shift_right_logical3A_80 : vector<16xi32>
    %swap3A_82 = arith.constant 176 : index
    %swap3A_83 = tpu.vector_load %arg7[%swap3A_82] {strides = array<i32>} : memref<512xi32, #tpu.memory_space<vmem>>, vector<16xi32>,
    tpu.vector_store %arg7[%swap3A_82], %shift_right_logical3A_81 {strides = array<i32>} : memref<512xi32, #tpu.memory_space<vmem>>, vector<16xi32>,
    %get3A_84 = arith.constant 192 : index
    %get3A_85 = tpu.vector_load %arg6[%get3A_84] {strides = array<i32>} : memref<512xi32, #tpu.memory_space<vmem>>, vector<16xi32>,
    %shift_right_logical3A_86 = arith.constant 3 : i32
    %shift_right_logical3A_87 = vector.broadcast %shift_right_logical3A_86 : i32 to vector<16xi32>
    %shift_right_logical3A_88 = arith.shrui %get3A_85, %shift_right_logical3A_87 : vector<16xi32>
    %swap3A_89 = arith.constant 192 : index
    %swap3A_90 = tpu.vector_load %arg7[%swap3A_89] {strides = array<i32>} : memref<512xi32, #tpu.memory_space<vmem>>, vector<16xi32>,
    tpu.vector_store %arg7[%swap3A_89], %shift_right_logical3A_88 {strides = array<i32>} : memref<512xi32, #tpu.memory_space<vmem>>, vector<16xi32>,
    %get3A_91 = arith.constant 208 : index
    %get3A_92 = tpu.vector_load %arg6[%get3A_91] {strides = array<i32>} : memref<512xi32, #tpu.memory_space<vmem>>, vector<16xi32>,
    %shift_right_logical3A_93 = arith.constant 3 : i32
    %shift_right_logical3A_94 = vector.broadcast %shift_right_logical3A_93 : i32 to vector<16xi32>
    %shift_right_logical3A_95 = arith.shrui %get3A_92, %shift_right_logical3A_94 : vector<16xi32>
    %swap3A_96 = arith.constant 208 : index
    %swap3A_97 = tpu.vector_load %arg7[%swap3A_96] {strides = array<i32>} : memref<512xi32, #tpu.memory_space<vmem>>, vector<16xi32>,
    tpu.vector_store %arg7[%swap3A_96], %shift_right_logical3A_95 {strides = array<i32>} : memref<512xi32, #tpu.memory_space<vmem>>, vector<16xi32>,
    %get3A_98 = arith.constant 224 : index
    %get3A_99 = tpu.vector_load %arg6[%get3A_98] {strides = array<i32>} : memref<512xi32, #tpu.memory_space<vmem>>, vector<16xi32>,
    %shift_right_logical3A_100 = arith.constant 3 : i32
    %shift_right_logical3A_101 = vector.broadcast %shift_right_logical3A_100 : i32 to vector<16xi32>
    %shift_right_logical3A_102 = arith.shrui %get3A_99, %shift_right_logical3A_101 : vector<16xi32>
    %swap3A_103 = arith.constant 224 : index
    %swap3A_104 = tpu.vector_load %arg7[%swap3A_103] {strides = array<i32>} : memref<512xi32, #tpu.memory_space<vmem>>, vector<16xi32>,
    tpu.vector_store %arg7[%swap3A_103], %shift_right_logical3A_102 {strides = array<i32>} : memref<512xi32, #tpu.memory_space<vmem>>, vector<16xi32>,
    %get3A_105 = arith.constant 240 : index
    %get3A_106 = tpu.vector_load %arg6[%get3A_105] {strides = array<i32>} : memref<512xi32, #tpu.memory_space<vmem>>, vector<16xi32>,
    %shift_right_logical3A_107 = arith.constant 3 : i32
    %shift_right_logical3A_108 = vector.broadcast %shift_right_logical3A_107 : i32 to vector<16xi32>
    %shift_right_logical3A_109 = arith.shrui %get3A_106, %shift_right_logical3A_108 : vector<16xi32>
    %swap3A_110 = arith.constant 240 : index
    %swap3A_111 = tpu.vector_load %arg7[%swap3A_110] {strides = array<i32>} : memref<512xi32, #tpu.memory_space<vmem>>, vector<16xi32>,
    tpu.vector_store %arg7[%swap3A_110], %shift_right_logical3A_109 {strides = array<i32>} : memref<512xi32, #tpu.memory_space<vmem>>, vector<16xi32>,
    %get3A_112 = arith.constant 256 : index
    %get3A_113 = tpu.vector_load %arg6[%get3A_112] {strides = array<i32>} : memref<512xi32, #tpu.memory_space<vmem>>, vector<16xi32>,
    %shift_right_logical3A_114 = arith.constant 3 : i32
    %shift_right_logical3A_115 = vector.broadcast %shift_right_logical3A_114 : i32 to vector<16xi32>
    %shift_right_logical3A_116 = arith.shrui %get3A_113, %shift_right_logical3A_115 : vector<16xi32>
    %swap3A_117 = arith.constant 256 : index
    %swap3A_118 = tpu.vector_load %arg7[%swap3A_117] {strides = array<i32>} : memref<512xi32, #tpu.memory_space<vmem>>, vector<16xi32>,
    tpu.vector_store %arg7[%swap3A_117], %shift_right_logical3A_116 {strides = array<i32>} : memref<512xi32, #tpu.memory_space<vmem>>, vector<16xi32>,
    %get3A_119 = arith.constant 272 : index
    %get3A_120 = tpu.vector_load %arg6[%get3A_119] {strides = array<i32>} : memref<512xi32, #tpu.memory_space<vmem>>, vector<16xi32>,
    %shift_right_logical3A_121 = arith.constant 3 : i32
    %shift_right_logical3A_122 = vector.broadcast %shift_right_logical3A_121 : i32 to vector<16xi32>
    %shift_right_logical3A_123 = arith.shrui %get3A_120, %shift_right_logical3A_122 : vector<16xi32>
    %swap3A_124 = arith.constant 272 : index
    %swap3A_125 = tpu.vector_load %arg7[%swap3A_124] {strides = array<i32>} : memref<512xi32, #tpu.memory_space<vmem>>, vector<16xi32>,
    tpu.vector_store %arg7[%swap3A_124], %shift_right_logical3A_123 {strides = array<i32>} : memref<512xi32, #tpu.memory_space<vmem>>, vector<16xi32>,
    %get3A_126 = arith.constant 288 : index
    %get3A_127 = tpu.vector_load %arg6[%get3A_126] {strides = array<i32>} : memref<512xi32, #tpu.memory_space<vmem>>, vector<16xi32>,
    %shift_right_logical3A_128 = arith.constant 3 : i32
    %shift_right_logical3A_129 = vector.broadcast %shift_right_logical3A_128 : i32 to vector<16xi32>
    %shift_right_logical3A_130 = arith.shrui %get3A_127, %shift_right_logical3A_129 : vector<16xi32>
    %swap3A_131 = arith.constant 288 : index
    %swap3A_132 = tpu.vector_load %arg7[%swap3A_131] {strides = array<i32>} : memref<512xi32, #tpu.memory_space<vmem>>, vector<16xi32>,
    tpu.vector_store %arg7[%swap3A_131], %shift_right_logical3A_130 {strides = array<i32>} : memref<512xi32, #tpu.memory_space<vmem>>, vector<16xi32>,
    %get3A_133 = arith.constant 304 : index
    %get3A_134 = tpu.vector_load %arg6[%get3A_133] {strides = array<i32>} : memref<512xi32, #tpu.memory_space<vmem>>, vector<16xi32>,
    %shift_right_logical3A_135 = arith.constant 3 : i32
    %shift_right_logical3A_136 = vector.broadcast %shift_right_logical3A_135 : i32 to vector<16xi32>
    %shift_right_logical3A_137 = arith.shrui %get3A_134, %shift_right_logical3A_136 : vector<16xi32>
    %swap3A_138 = arith.constant 304 : index
    %swap3A_139 = tpu.vector_load %arg7[%swap3A_138] {strides = array<i32>} : memref<512xi32, #tpu.memory_space<vmem>>, vector<16xi32>,
    tpu.vector_store %arg7[%swap3A_138], %shift_right_logical3A_137 {strides = array<i32>} : memref<512xi32, #tpu.memory_space<vmem>>, vector<16xi32>,
    %get3A_140 = arith.constant 320 : index
    %get3A_141 = tpu.vector_load %arg6[%get3A_140] {strides = array<i32>} : memref<512xi32, #tpu.memory_space<vmem>>, vector<16xi32>,
    %shift_right_logical3A_142 = arith.constant 3 : i32
    %shift_right_logical3A_143 = vector.broadcast %shift_right_logical3A_142 : i32 to vector<16xi32>
    %shift_right_logical3A_144 = arith.shrui %get3A_141, %shift_right_logical3A_143 : vector<16xi32>
    %swap3A_145 = arith.constant 320 : index
    %swap3A_146 = tpu.vector_load %arg7[%swap3A_145] {strides = array<i32>} : memref<512xi32, #tpu.memory_space<vmem>>, vector<16xi32>,
    tpu.vector_store %arg7[%swap3A_145], %shift_right_logical3A_144 {strides = array<i32>} : memref<512xi32, #tpu.memory_space<vmem>>, vector<16xi32>,
    %get3A_147 = arith.constant 336 : index
    %get3A_148 = tpu.vector_load %arg6[%get3A_147] {strides = array<i32>} : memref<512xi32, #tpu.memory_space<vmem>>, vector<16xi32>,
    %shift_right_logical3A_149 = arith.constant 3 : i32
    %shift_right_logical3A_150 = vector.broadcast %shift_right_logical3A_149 : i32 to vector<16xi32>
    %shift_right_logical3A_151 = arith.shrui %get3A_148, %shift_right_logical3A_150 : vector<16xi32>
    %swap3A_152 = arith.constant 336 : index
    %swap3A_153 = tpu.vector_load %arg7[%swap3A_152] {strides = array<i32>} : memref<512xi32, #tpu.memory_space<vmem>>, vector<16xi32>,
    tpu.vector_store %arg7[%swap3A_152], %shift_right_logical3A_151 {strides = array<i32>} : memref<512xi32, #tpu.memory_space<vmem>>, vector<16xi32>,
    %get3A_154 = arith.constant 352 : index
    %get3A_155 = tpu.vector_load %arg6[%get3A_154] {strides = array<i32>} : memref<512xi32, #tpu.memory_space<vmem>>, vector<16xi32>,
    %shift_right_logical3A_156 = arith.constant 3 : i32
    %shift_right_logical3A_157 = vector.broadcast %shift_right_logical3A_156 : i32 to vector<16xi32>
    %shift_right_logical3A_158 = arith.shrui %get3A_155, %shift_right_logical3A_157 : vector<16xi32>
    %swap3A_159 = arith.constant 352 : index
    %swap3A_160 = tpu.vector_load %arg7[%swap3A_159] {strides = array<i32>} : memref<512xi32, #tpu.memory_space<vmem>>, vector<16xi32>,
    tpu.vector_store %arg7[%swap3A_159], %shift_right_logical3A_158 {strides = array<i32>} : memref<512xi32, #tpu.memory_space<vmem>>, vector<16xi32>,
    %get3A_161 = arith.constant 368 : index
    %get3A_162 = tpu.vector_load %arg6[%get3A_161] {strides = array<i32>} : memref<512xi32, #tpu.memory_space<vmem>>, vector<16xi32>,
    %shift_right_logical3A_163 = arith.constant 3 : i32
    %shift_right_logical3A_164 = vector.broadcast %shift_right_logical3A_163 : i32 to vector<16xi32>
    %shift_right_logical3A_165 = arith.shrui %get3A_162, %shift_right_logical3A_164 : vector<16xi32>
    %swap3A_166 = arith.constant 368 : index
    %swap3A_167 = tpu.vector_load %arg7[%swap3A_166] {strides = array<i32>} : memref<512xi32, #tpu.memory_space<vmem>>, vector<16xi32>,
    tpu.vector_store %arg7[%swap3A_166], %shift_right_logical3A_165 {strides = array<i32>} : memref<512xi32, #tpu.memory_space<vmem>>, vector<16xi32>,
    %get3A_168 = arith.constant 384 : index
    %get3A_169 = tpu.vector_load %arg6[%get3A_168] {strides = array<i32>} : memref<512xi32, #tpu.memory_space<vmem>>, vector<16xi32>,
    %shift_right_logical3A_170 = arith.constant 3 : i32
    %shift_right_logical3A_171 = vector.broadcast %shift_right_logical3A_170 : i32 to vector<16xi32>
    %shift_right_logical3A_172 = arith.shrui %get3A_169, %shift_right_logical3A_171 : vector<16xi32>
    %swap3A_173 = arith.constant 384 : index
    %swap3A_174 = tpu.vector_load %arg7[%swap3A_173] {strides = array<i32>} : memref<512xi32, #tpu.memory_space<vmem>>, vector<16xi32>,
    tpu.vector_store %arg7[%swap3A_173], %shift_right_logical3A_172 {strides = array<i32>} : memref<512xi32, #tpu.memory_space<vmem>>, vector<16xi32>,
    %get3A_175 = arith.constant 400 : index
    %get3A_176 = tpu.vector_load %arg6[%get3A_175] {strides = array<i32>} : memref<512xi32, #tpu.memory_space<vmem>>, vector<16xi32>,
    %shift_right_logical3A_177 = arith.constant 3 : i32
    %shift_right_logical3A_178 = vector.broadcast %shift_right_logical3A_177 : i32 to vector<16xi32>
    %shift_right_logical3A_179 = arith.shrui %get3A_176, %shift_right_logical3A_178 : vector<16xi32>
    %swap3A_180 = arith.constant 400 : index
    %swap3A_181 = tpu.vector_load %arg7[%swap3A_180] {strides = array<i32>} : memref<512xi32, #tpu.memory_space<vmem>>, vector<16xi32>,
    tpu.vector_store %arg7[%swap3A_180], %shift_right_logical3A_179 {strides = array<i32>} : memref<512xi32, #tpu.memory_space<vmem>>, vector<16xi32>,
    %get3A_182 = arith.constant 416 : index
    %get3A_183 = tpu.vector_load %arg6[%get3A_182] {strides = array<i32>} : memref<512xi32, #tpu.memory_space<vmem>>, vector<16xi32>,
    %shift_right_logical3A_184 = arith.constant 3 : i32
    %shift_right_logical3A_185 = vector.broadcast %shift_right_logical3A_184 : i32 to vector<16xi32>
    %shift_right_logical3A_186 = arith.shrui %get3A_183, %shift_right_logical3A_185 : vector<16xi32>
    %swap3A_187 = arith.constant 416 : index
    %swap3A_188 = tpu.vector_load %arg7[%swap3A_187] {strides = array<i32>} : memref<512xi32, #tpu.memory_space<vmem>>, vector<16xi32>,
    tpu.vector_store %arg7[%swap3A_187], %shift_right_logical3A_186 {strides = array<i32>} : memref<512xi32, #tpu.memory_space<vmem>>, vector<16xi32>,
    %get3A_189 = arith.constant 432 : index
    %get3A_190 = tpu.vector_load %arg6[%get3A_189] {strides = array<i32>} : memref<512xi32, #tpu.memory_space<vmem>>, vector<16xi32>,
    %shift_right_logical3A_191 = arith.constant 3 : i32
    %shift_right_logical3A_192 = vector.broadcast %shift_right_logical3A_191 : i32 to vector<16xi32>
    %shift_right_logical3A_193 = arith.shrui %get3A_190, %shift_right_logical3A_192 : vector<16xi32>
    %swap3A_194 = arith.constant 432 : index
    %swap3A_195 = tpu.vector_load %arg7[%swap3A_194] {strides = array<i32>} : memref<512xi32, #tpu.memory_space<vmem>>, vector<16xi32>,
    tpu.vector_store %arg7[%swap3A_194], %shift_right_logical3A_193 {strides = array<i32>} : memref<512xi32, #tpu.memory_space<vmem>>, vector<16xi32>,
    %get3A_196 = arith.constant 448 : index
    %get3A_197 = tpu.vector_load %arg6[%get3A_196] {strides = array<i32>} : memref<512xi32, #tpu.memory_space<vmem>>, vector<16xi32>,
    %shift_right_logical3A_198 = arith.constant 3 : i32
    %shift_right_logical3A_199 = vector.broadcast %shift_right_logical3A_198 : i32 to vector<16xi32>
    %shift_right_logical3A_200 = arith.shrui %get3A_197, %shift_right_logical3A_199 : vector<16xi32>
    %swap3A_201 = arith.constant 448 : index
    %swap3A_202 = tpu.vector_load %arg7[%swap3A_201] {strides = array<i32>} : memref<512xi32, #tpu.memory_space<vmem>>, vector<16xi32>,
    tpu.vector_store %arg7[%swap3A_201], %shift_right_logical3A_200 {strides = array<i32>} : memref<512xi32, #tpu.memory_space<vmem>>, vector<16xi32>,
    %get3A_203 = arith.constant 464 : index
    %get3A_204 = tpu.vector_load %arg6[%get3A_203] {strides = array<i32>} : memref<512xi32, #tpu.memory_space<vmem>>, vector<16xi32>,
    %shift_right_logical3A_205 = arith.constant 3 : i32
    %shift_right_logical3A_206 = vector.broadcast %shift_right_logical3A_205 : i32 to vector<16xi32>
    %shift_right_logical3A_207 = arith.shrui %get3A_204, %shift_right_logical3A_206 : vector<16xi32>
    %swap3A_208 = arith.constant 464 : index
    %swap3A_209 = tpu.vector_load %arg7[%swap3A_208] {strides = array<i32>} : memref<512xi32, #tpu.memory_space<vmem>>, vector<16xi32>,
    tpu.vector_store %arg7[%swap3A_208], %shift_right_logical3A_207 {strides = array<i32>} : memref<512xi32, #tpu.memory_space<vmem>>, vector<16xi32>,
    %get3A_210 = arith.constant 480 : index
    %get3A_211 = tpu.vector_load %arg6[%get3A_210] {strides = array<i32>} : memref<512xi32, #tpu.memory_space<vmem>>, vector<16xi32>,
    %shift_right_logical3A_212 = arith.constant 3 : i32
    %shift_right_logical3A_213 = vector.broadcast %shift_right_logical3A_212 : i32 to vector<16xi32>
    %shift_right_logical3A_214 = arith.shrui %get3A_211, %shift_right_logical3A_213 : vector<16xi32>
    %swap3A_215 = arith.constant 480 : index
    %swap3A_216 = tpu.vector_load %arg7[%swap3A_215] {strides = array<i32>} : memref<512xi32, #tpu.memory_space<vmem>>, vector<16xi32>,
    tpu.vector_store %arg7[%swap3A_215], %shift_right_logical3A_214 {strides = array<i32>} : memref<512xi32, #tpu.memory_space<vmem>>, vector<16xi32>,
    %get3A_217 = arith.constant 496 : index
    %get3A_218 = tpu.vector_load %arg6[%get3A_217] {strides = array<i32>} : memref<512xi32, #tpu.memory_space<vmem>>, vector<16xi32>,
    %shift_right_logical3A_219 = arith.constant 3 : i32
    %shift_right_logical3A_220 = vector.broadcast %shift_right_logical3A_219 : i32 to vector<16xi32>
    %shift_right_logical3A_221 = arith.shrui %get3A_218, %shift_right_logical3A_220 : vector<16xi32>
    %swap3A_222 = arith.constant 496 : index
    %swap3A_223 = tpu.vector_load %arg7[%swap3A_222] {strides = array<i32>} : memref<512xi32, #tpu.memory_space<vmem>>, vector<16xi32>,
    tpu.vector_store %arg7[%swap3A_222], %shift_right_logical3A_221 {strides = array<i32>} : memref<512xi32, #tpu.memory_space<vmem>>, vector<16xi32>,
    %dma_start3A = arith.constant 0 : i32
    %dma_start3A_224 = arith.constant 0 : i32
    %dma_start3A_225 = tpu.memref_slice %arg8[%dma_start3A, %dma_start3A_224] : memref<512x128xf32, #tpu.memory_space<vmem>> -> memref<128x128xf32, #tpu.memory_space<vmem>>
    %dma_start3A_226 = arith.constant 0 : i32
    %dma_start3A_227 = tpu.memref_slice %arg7[%dma_start3A_226] : memref<512xi32, #tpu.memory_space<vmem>> -> memref<128xi32, #tpu.memory_space<vmem>>
    %dma_start3A_228 = arith.constant 0 : i32
    %dma_start3A_229 = arith.constant 0 : i32
    %dma_start3A_230 = tpu.memref_slice %arg4[%dma_start3A_228, %dma_start3A_229] : memref<12500x128xf32, #tpu.memory_space<hbm>> -> memref<12500x128xf32, #tpu.memory_space<hbm>>
    tpu.enqueue_indirect_dma source(%dma_start3A_230 : memref<12500x128xf32, #tpu.memory_space<hbm>>) target(%dma_start3A_225 : memref<128x128xf32, #tpu.memory_space<vmem>>) offsets(%dma_start3A_227 : memref<128xi32, #tpu.memory_space<vmem>>) semaphore(%arg11 : memref<!tpu.dma_semaphore, #tpu.memory_space<semaphore_mem>>)
    %dma_start3A_231 = arith.constant 128 : i32
    %dma_start3A_232 = arith.constant 0 : i32
    %dma_start3A_233 = tpu.memref_slice %arg8[%dma_start3A_231, %dma_start3A_232] : memref<512x128xf32, #tpu.memory_space<vmem>> -> memref<128x128xf32, #tpu.memory_space<vmem>>
    %dma_start3A_234 = arith.constant 128 : i32
    %dma_start3A_235 = tpu.memref_slice %arg7[%dma_start3A_234] : memref<512xi32, #tpu.memory_space<vmem>> -> memref<128xi32, #tpu.memory_space<vmem>>
    %dma_start3A_236 = arith.constant 0 : i32
    %dma_start3A_237 = arith.constant 0 : i32
    %dma_start3A_238 = tpu.memref_slice %arg4[%dma_start3A_236, %dma_start3A_237] : memref<12500x128xf32, #tpu.memory_space<hbm>> -> memref<12500x128xf32, #tpu.memory_space<hbm>>
    tpu.enqueue_indirect_dma source(%dma_start3A_238 : memref<12500x128xf32, #tpu.memory_space<hbm>>) target(%dma_start3A_233 : memref<128x128xf32, #tpu.memory_space<vmem>>) offsets(%dma_start3A_235 : memref<128xi32, #tpu.memory_space<vmem>>) semaphore(%arg11 : memref<!tpu.dma_semaphore, #tpu.memory_space<semaphore_mem>>)
    %dma_start3A_239 = arith.constant 256 : i32
    %dma_start3A_240 = arith.constant 0 : i32
    %dma_start3A_241 = tpu.memref_slice %arg8[%dma_start3A_239, %dma_start3A_240] : memref<512x128xf32, #tpu.memory_space<vmem>> -> memref<128x128xf32, #tpu.memory_space<vmem>>
    %dma_start3A_242 = arith.constant 256 : i32
    %dma_start3A_243 = tpu.memref_slice %arg7[%dma_start3A_242] : memref<512xi32, #tpu.memory_space<vmem>> -> memref<128xi32, #tpu.memory_space<vmem>>
    %dma_start3A_244 = arith.constant 0 : i32
    %dma_start3A_245 = arith.constant 0 : i32
    %dma_start3A_246 = tpu.memref_slice %arg4[%dma_start3A_244, %dma_start3A_245] : memref<12500x128xf32, #tpu.memory_space<hbm>> -> memref<12500x128xf32, #tpu.memory_space<hbm>>
    tpu.enqueue_indirect_dma source(%dma_start3A_246 : memref<12500x128xf32, #tpu.memory_space<hbm>>) target(%dma_start3A_241 : memref<128x128xf32, #tpu.memory_space<vmem>>) offsets(%dma_start3A_243 : memref<128xi32, #tpu.memory_space<vmem>>) semaphore(%arg11 : memref<!tpu.dma_semaphore, #tpu.memory_space<semaphore_mem>>)
    %dma_start3A_247 = arith.constant 384 : i32
    %dma_start3A_248 = arith.constant 0 : i32
    %dma_start3A_249 = tpu.memref_slice %arg8[%dma_start3A_247, %dma_start3A_248] : memref<512x128xf32, #tpu.memory_space<vmem>> -> memref<128x128xf32, #tpu.memory_space<vmem>>
    %dma_start3A_250 = arith.constant 384 : i32
    %dma_start3A_251 = tpu.memref_slice %arg7[%dma_start3A_250] : memref<512xi32, #tpu.memory_space<vmem>> -> memref<128xi32, #tpu.memory_space<vmem>>
    %dma_start3A_252 = arith.constant 0 : i32
    %dma_start3A_253 = arith.constant 0 : i32
    %dma_start3A_254 = tpu.memref_slice %arg4[%dma_start3A_252, %dma_start3A_253] : memref<12500x128xf32, #tpu.memory_space<hbm>> -> memref<12500x128xf32, #tpu.memory_space<hbm>>
    tpu.enqueue_indirect_dma source(%dma_start3A_254 : memref<12500x128xf32, #tpu.memory_space<hbm>>) target(%dma_start3A_249 : memref<128x128xf32, #tpu.memory_space<vmem>>) offsets(%dma_start3A_251 : memref<128xi32, #tpu.memory_space<vmem>>) semaphore(%arg11 : memref<!tpu.dma_semaphore, #tpu.memory_space<semaphore_mem>>)
    "tpu.region"() ({
      %run_scoped3A = tpu.sem_alloc : memref<!tpu.dma_semaphore, #tpu.memory_space<semaphore_mem>>
      %dma_start3A_309 = arith.constant 0 : i32
      %dma_start3A_310 = tpu.memref_slice %arg2[%dma_start3A_309, %mul3A_2] : memref<16x16384xf32, #tpu.memory_space<hbm>> -> memref<16x512xf32, #tpu.memory_space<hbm>>
      %dma_start3A_311 = arith.constant 0 : i32
      %dma_start3A_312 = tpu.memref_slice %arg2[%dma_start3A_311, %mul3A_2] : memref<16x16384xf32, #tpu.memory_space<hbm>> -> memref<16x512xf32, #tpu.memory_space<hbm>>
      tpu.enqueue_dma source(%dma_start3A_312 : memref<16x512xf32, #tpu.memory_space<hbm>>) target(%arg9 : memref<16x512xf32, #tpu.memory_space<vmem>>) target_semaphore(%run_scoped3A : memref<!tpu.dma_semaphore, #tpu.memory_space<semaphore_mem>>)
      %dma_wait3A_313 = arith.constant 0 : i32
      %dma_wait3A_314 = tpu.memref_slice %arg2[%dma_wait3A_313, %mul3A_2] : memref<16x16384xf32, #tpu.memory_space<hbm>> -> memref<16x512xf32, #tpu.memory_space<hbm>>
      %dma_wait3A_315 = arith.constant 0 : i32
      %dma_wait3A_316 = tpu.memref_slice %arg2[%dma_wait3A_315, %mul3A_2] : memref<16x16384xf32, #tpu.memory_space<hbm>> -> memref<16x512xf32, #tpu.memory_space<hbm>>
      tpu.wait_dma2 semaphore(%run_scoped3A : memref<!tpu.dma_semaphore, #tpu.memory_space<semaphore_mem>>) src(%dma_wait3A_316 : memref<16x512xf32, #tpu.memory_space<hbm>>) dst(%arg9 : memref<16x512xf32, #tpu.memory_space<vmem>>)
      tpu.yield
    }) : () -> ()
    %iota3A = tpu.iota {dimensions = array<i32: 0>} : vector<16xi32>
    %dma_wait3A = arith.constant 0 : i32
    %dma_wait3A_255 = arith.constant 0 : i32
    %dma_wait3A_256 = tpu.memref_slice %arg8[%dma_wait3A, %dma_wait3A_255] : memref<512x128xf32, #tpu.memory_space<vmem>> -> memref<128x128xf32, #tpu.memory_space<vmem>>
    %dma_wait3A_257 = arith.constant 0 : i32
    %dma_wait3A_258 = tpu.memref_slice %arg7[%dma_wait3A_257] : memref<512xi32, #tpu.memory_space<vmem>> -> memref<128xi32, #tpu.memory_space<vmem>>
    %dma_wait3A_259 = arith.constant 0 : i32
    %dma_wait3A_260 = arith.constant 0 : i32
    %dma_wait3A_261 = tpu.memref_slice %arg4[%dma_wait3A_259, %dma_wait3A_260] : memref<12500x128xf32, #tpu.memory_space<hbm>> -> memref<12500x128xf32, #tpu.memory_space<hbm>>
    tpu.wait_indirect_dma semaphore(%arg11 : memref<!tpu.dma_semaphore, #tpu.memory_space<semaphore_mem>>) src(%dma_wait3A_261 : memref<12500x128xf32, #tpu.memory_space<hbm>>) dst(%dma_wait3A_256 : memref<128x128xf32, #tpu.memory_space<vmem>>)
    %scan3A = arith.constant 0 : i32
    %scan3A_262 = arith.constant 0 : i32
    %scan3A_263 = arith.constant 8 : i32
    %scan3A_264 = arith.addi %scan3A_262, %scan3A_263 : i32
    %scan3A_265 = arith.constant 1 : i32
    scf.for %scan3A_309 = %scan3A_262 to %scan3A_264 step %scan3A_265  : i32 {
      %mul3A_310 = arith.constant 16 : i32
      %mul3A_311 = arith.muli %scan3A_309, %mul3A_310 : i32
      %add3A_312 = vector.broadcast %mul3A_311 : i32 to vector<16xi32>
      %add3A_313 = arith.addi %add3A_312, %iota3A : vector<16xi32>
      %mul3A_314 = arith.constant 16 : i32
      %mul3A_315 = arith.muli %scan3A_309, %mul3A_314 : i32
      %get3A_316 = arith.index_cast %mul3A_315 : i32 to index
      %get3A_317 = tpu.vector_load %arg6[%get3A_316] {strides = array<i32>} : memref<512xi32, #tpu.memory_space<vmem>>, vector<16xi32>,
      %and3A = arith.constant 7 : i32
      %and3A_318 = vector.broadcast %and3A : i32 to vector<16xi32>
      %and3A_319 = arith.andi %get3A_317, %and3A_318 : vector<16xi32>
      %mul3A_320 = arith.constant 16 : i32
      %mul3A_321 = vector.broadcast %mul3A_320 : i32 to vector<16xi32>
      %mul3A_322 = arith.muli %and3A_319, %mul3A_321 : vector<16xi32>
      %broadcast_in_dim3A = arith.constant 0.000000e+00 : f32
      %broadcast_in_dim3A_323 = vector.broadcast %broadcast_in_dim3A : f32 to vector<16xf32>
      %mul3A_324 = arith.constant 16 : i32
      %mul3A_325 = arith.muli %scan3A_309, %mul3A_324 : i32
      %get3A_326 = arith.constant 0 : i32
      %get3A_327 = arith.index_cast %get3A_326 : i32 to index
      %get3A_328 = arith.index_cast %mul3A_325 : i32 to index
      %get3A_329 = tpu.vector_load %arg9[%get3A_327, %get3A_328] {strides = array<i32>} : memref<16x512xf32, #tpu.memory_space<vmem>>, vector<16xf32>,
      %add3A_330 = arith.constant 0 : i32
      %add3A_331 = vector.broadcast %add3A_330 : i32 to vector<16xi32>
      %add3A_332 = arith.addi %mul3A_322, %add3A_331 : vector<16xi32>
      %gather3A = tpu.vector_load_idx %arg8[%add3A_313, %add3A_332] : memref<512x128xf32, #tpu.memory_space<vmem>>[vector<16xi32>, vector<16xi32>], vector<16xf32>,
      %mul3A_333 = arith.mulf %get3A_329, %gather3A : vector<16xf32>
      %add3A_334 = arith.addf %broadcast_in_dim3A_323, %mul3A_333 : vector<16xf32>
      %mul3A_335 = arith.constant 16 : i32
      %mul3A_336 = arith.muli %scan3A_309, %mul3A_335 : i32
      %get3A_337 = arith.constant 1 : i32
      %get3A_338 = arith.index_cast %get3A_337 : i32 to index
      %get3A_339 = arith.index_cast %mul3A_336 : i32 to index
      %get3A_340 = tpu.vector_load %arg9[%get3A_338, %get3A_339] {strides = array<i32>} : memref<16x512xf32, #tpu.memory_space<vmem>>, vector<16xf32>,
      %add3A_341 = arith.constant 1 : i32
      %add3A_342 = vector.broadcast %add3A_341 : i32 to vector<16xi32>
      %add3A_343 = arith.addi %mul3A_322, %add3A_342 : vector<16xi32>
      %gather3A_344 = tpu.vector_load_idx %arg8[%add3A_313, %add3A_343] : memref<512x128xf32, #tpu.memory_space<vmem>>[vector<16xi32>, vector<16xi32>], vector<16xf32>,
      %mul3A_345 = arith.mulf %get3A_340, %gather3A_344 : vector<16xf32>
      %add3A_346 = arith.addf %add3A_334, %mul3A_345 : vector<16xf32>
      %mul3A_347 = arith.constant 16 : i32
      %mul3A_348 = arith.muli %scan3A_309, %mul3A_347 : i32
      %get3A_349 = arith.constant 2 : i32
      %get3A_350 = arith.index_cast %get3A_349 : i32 to index
      %get3A_351 = arith.index_cast %mul3A_348 : i32 to index
      %get3A_352 = tpu.vector_load %arg9[%get3A_350, %get3A_351] {strides = array<i32>} : memref<16x512xf32, #tpu.memory_space<vmem>>, vector<16xf32>,
      %add3A_353 = arith.constant 2 : i32
      %add3A_354 = vector.broadcast %add3A_353 : i32 to vector<16xi32>
      %add3A_355 = arith.addi %mul3A_322, %add3A_354 : vector<16xi32>
      %gather3A_356 = tpu.vector_load_idx %arg8[%add3A_313, %add3A_355] : memref<512x128xf32, #tpu.memory_space<vmem>>[vector<16xi32>, vector<16xi32>], vector<16xf32>,
      %mul3A_357 = arith.mulf %get3A_352, %gather3A_356 : vector<16xf32>
      %add3A_358 = arith.addf %add3A_346, %mul3A_357 : vector<16xf32>
      %mul3A_359 = arith.constant 16 : i32
      %mul3A_360 = arith.muli %scan3A_309, %mul3A_359 : i32
      %get3A_361 = arith.constant 3 : i32
      %get3A_362 = arith.index_cast %get3A_361 : i32 to index
      %get3A_363 = arith.index_cast %mul3A_360 : i32 to index
      %get3A_364 = tpu.vector_load %arg9[%get3A_362, %get3A_363] {strides = array<i32>} : memref<16x512xf32, #tpu.memory_space<vmem>>, vector<16xf32>,
      %add3A_365 = arith.constant 3 : i32
      %add3A_366 = vector.broadcast %add3A_365 : i32 to vector<16xi32>
      %add3A_367 = arith.addi %mul3A_322, %add3A_366 : vector<16xi32>
      %gather3A_368 = tpu.vector_load_idx %arg8[%add3A_313, %add3A_367] : memref<512x128xf32, #tpu.memory_space<vmem>>[vector<16xi32>, vector<16xi32>], vector<16xf32>,
      %mul3A_369 = arith.mulf %get3A_364, %gather3A_368 : vector<16xf32>
      %add3A_370 = arith.addf %add3A_358, %mul3A_369 : vector<16xf32>
      %mul3A_371 = arith.constant 16 : i32
      %mul3A_372 = arith.muli %scan3A_309, %mul3A_371 : i32
      %get3A_373 = arith.constant 4 : i32
      %get3A_374 = arith.index_cast %get3A_373 : i32 to index
      %get3A_375 = arith.index_cast %mul3A_372 : i32 to index
      %get3A_376 = tpu.vector_load %arg9[%get3A_374, %get3A_375] {strides = array<i32>} : memref<16x512xf32, #tpu.memory_space<vmem>>, vector<16xf32>,
      %add3A_377 = arith.constant 4 : i32
      %add3A_378 = vector.broadcast %add3A_377 : i32 to vector<16xi32>
      %add3A_379 = arith.addi %mul3A_322, %add3A_378 : vector<16xi32>
      %gather3A_380 = tpu.vector_load_idx %arg8[%add3A_313, %add3A_379] : memref<512x128xf32, #tpu.memory_space<vmem>>[vector<16xi32>, vector<16xi32>], vector<16xf32>,
      %mul3A_381 = arith.mulf %get3A_376, %gather3A_380 : vector<16xf32>
      %add3A_382 = arith.addf %add3A_370, %mul3A_381 : vector<16xf32>
      %mul3A_383 = arith.constant 16 : i32
      %mul3A_384 = arith.muli %scan3A_309, %mul3A_383 : i32
      %get3A_385 = arith.constant 5 : i32
      %get3A_386 = arith.index_cast %get3A_385 : i32 to index
      %get3A_387 = arith.index_cast %mul3A_384 : i32 to index
      %get3A_388 = tpu.vector_load %arg9[%get3A_386, %get3A_387] {strides = array<i32>} : memref<16x512xf32, #tpu.memory_space<vmem>>, vector<16xf32>,
      %add3A_389 = arith.constant 5 : i32
      %add3A_390 = vector.broadcast %add3A_389 : i32 to vector<16xi32>
      %add3A_391 = arith.addi %mul3A_322, %add3A_390 : vector<16xi32>
      %gather3A_392 = tpu.vector_load_idx %arg8[%add3A_313, %add3A_391] : memref<512x128xf32, #tpu.memory_space<vmem>>[vector<16xi32>, vector<16xi32>], vector<16xf32>,
      %mul3A_393 = arith.mulf %get3A_388, %gather3A_392 : vector<16xf32>
      %add3A_394 = arith.addf %add3A_382, %mul3A_393 : vector<16xf32>
      %mul3A_395 = arith.constant 16 : i32
      %mul3A_396 = arith.muli %scan3A_309, %mul3A_395 : i32
      %get3A_397 = arith.constant 6 : i32
      %get3A_398 = arith.index_cast %get3A_397 : i32 to index
      %get3A_399 = arith.index_cast %mul3A_396 : i32 to index
      %get3A_400 = tpu.vector_load %arg9[%get3A_398, %get3A_399] {strides = array<i32>} : memref<16x512xf32, #tpu.memory_space<vmem>>, vector<16xf32>,
      %add3A_401 = arith.constant 6 : i32
      %add3A_402 = vector.broadcast %add3A_401 : i32 to vector<16xi32>
      %add3A_403 = arith.addi %mul3A_322, %add3A_402 : vector<16xi32>
      %gather3A_404 = tpu.vector_load_idx %arg8[%add3A_313, %add3A_403] : memref<512x128xf32, #tpu.memory_space<vmem>>[vector<16xi32>, vector<16xi32>], vector<16xf32>,
      %mul3A_405 = arith.mulf %get3A_400, %gather3A_404 : vector<16xf32>
      %add3A_406 = arith.addf %add3A_394, %mul3A_405 : vector<16xf32>
      %mul3A_407 = arith.constant 16 : i32
      %mul3A_408 = arith.muli %scan3A_309, %mul3A_407 : i32
      %get3A_409 = arith.constant 7 : i32
      %get3A_410 = arith.index_cast %get3A_409 : i32 to index
      %get3A_411 = arith.index_cast %mul3A_408 : i32 to index
      %get3A_412 = tpu.vector_load %arg9[%get3A_410, %get3A_411] {strides = array<i32>} : memref<16x512xf32, #tpu.memory_space<vmem>>, vector<16xf32>,
      %add3A_413 = arith.constant 7 : i32
      %add3A_414 = vector.broadcast %add3A_413 : i32 to vector<16xi32>
      %add3A_415 = arith.addi %mul3A_322, %add3A_414 : vector<16xi32>
      %gather3A_416 = tpu.vector_load_idx %arg8[%add3A_313, %add3A_415] : memref<512x128xf32, #tpu.memory_space<vmem>>[vector<16xi32>, vector<16xi32>], vector<16xf32>,
      %mul3A_417 = arith.mulf %get3A_412, %gather3A_416 : vector<16xf32>
      %add3A_418 = arith.addf %add3A_406, %mul3A_417 : vector<16xf32>
      %mul3A_419 = arith.constant 16 : i32
      %mul3A_420 = arith.muli %scan3A_309, %mul3A_419 : i32
      %get3A_421 = arith.constant 8 : i32
      %get3A_422 = arith.index_cast %get3A_421 : i32 to index
      %get3A_423 = arith.index_cast %mul3A_420 : i32 to index
      %get3A_424 = tpu.vector_load %arg9[%get3A_422, %get3A_423] {strides = array<i32>} : memref<16x512xf32, #tpu.memory_space<vmem>>, vector<16xf32>,
      %add3A_425 = arith.constant 8 : i32
      %add3A_426 = vector.broadcast %add3A_425 : i32 to vector<16xi32>
      %add3A_427 = arith.addi %mul3A_322, %add3A_426 : vector<16xi32>
      %gather3A_428 = tpu.vector_load_idx %arg8[%add3A_313, %add3A_427] : memref<512x128xf32, #tpu.memory_space<vmem>>[vector<16xi32>, vector<16xi32>], vector<16xf32>,
      %mul3A_429 = arith.mulf %get3A_424, %gather3A_428 : vector<16xf32>
      %add3A_430 = arith.addf %add3A_418, %mul3A_429 : vector<16xf32>
      %mul3A_431 = arith.constant 16 : i32
      %mul3A_432 = arith.muli %scan3A_309, %mul3A_431 : i32
      %get3A_433 = arith.constant 9 : i32
      %get3A_434 = arith.index_cast %get3A_433 : i32 to index
      %get3A_435 = arith.index_cast %mul3A_432 : i32 to index
      %get3A_436 = tpu.vector_load %arg9[%get3A_434, %get3A_435] {strides = array<i32>} : memref<16x512xf32, #tpu.memory_space<vmem>>, vector<16xf32>,
      %add3A_437 = arith.constant 9 : i32
      %add3A_438 = vector.broadcast %add3A_437 : i32 to vector<16xi32>
      %add3A_439 = arith.addi %mul3A_322, %add3A_438 : vector<16xi32>
      %gather3A_440 = tpu.vector_load_idx %arg8[%add3A_313, %add3A_439] : memref<512x128xf32, #tpu.memory_space<vmem>>[vector<16xi32>, vector<16xi32>], vector<16xf32>,
      %mul3A_441 = arith.mulf %get3A_436, %gather3A_440 : vector<16xf32>
      %add3A_442 = arith.addf %add3A_430, %mul3A_441 : vector<16xf32>
      %mul3A_443 = arith.constant 16 : i32
      %mul3A_444 = arith.muli %scan3A_309, %mul3A_443 : i32
      %get3A_445 = arith.constant 10 : i32
      %get3A_446 = arith.index_cast %get3A_445 : i32 to index
      %get3A_447 = arith.index_cast %mul3A_444 : i32 to index
      %get3A_448 = tpu.vector_load %arg9[%get3A_446, %get3A_447] {strides = array<i32>} : memref<16x512xf32, #tpu.memory_space<vmem>>, vector<16xf32>,
      %add3A_449 = arith.constant 10 : i32
      %add3A_450 = vector.broadcast %add3A_449 : i32 to vector<16xi32>
      %add3A_451 = arith.addi %mul3A_322, %add3A_450 : vector<16xi32>
      %gather3A_452 = tpu.vector_load_idx %arg8[%add3A_313, %add3A_451] : memref<512x128xf32, #tpu.memory_space<vmem>>[vector<16xi32>, vector<16xi32>], vector<16xf32>,
      %mul3A_453 = arith.mulf %get3A_448, %gather3A_452 : vector<16xf32>
      %add3A_454 = arith.addf %add3A_442, %mul3A_453 : vector<16xf32>
      %mul3A_455 = arith.constant 16 : i32
      %mul3A_456 = arith.muli %scan3A_309, %mul3A_455 : i32
      %get3A_457 = arith.constant 11 : i32
      %get3A_458 = arith.index_cast %get3A_457 : i32 to index
      %get3A_459 = arith.index_cast %mul3A_456 : i32 to index
      %get3A_460 = tpu.vector_load %arg9[%get3A_458, %get3A_459] {strides = array<i32>} : memref<16x512xf32, #tpu.memory_space<vmem>>, vector<16xf32>,
      %add3A_461 = arith.constant 11 : i32
      %add3A_462 = vector.broadcast %add3A_461 : i32 to vector<16xi32>
      %add3A_463 = arith.addi %mul3A_322, %add3A_462 : vector<16xi32>
      %gather3A_464 = tpu.vector_load_idx %arg8[%add3A_313, %add3A_463] : memref<512x128xf32, #tpu.memory_space<vmem>>[vector<16xi32>, vector<16xi32>], vector<16xf32>,
      %mul3A_465 = arith.mulf %get3A_460, %gather3A_464 : vector<16xf32>
      %add3A_466 = arith.addf %add3A_454, %mul3A_465 : vector<16xf32>
      %mul3A_467 = arith.constant 16 : i32
      %mul3A_468 = arith.muli %scan3A_309, %mul3A_467 : i32
      %get3A_469 = arith.constant 12 : i32
      %get3A_470 = arith.index_cast %get3A_469 : i32 to index
      %get3A_471 = arith.index_cast %mul3A_468 : i32 to index
      %get3A_472 = tpu.vector_load %arg9[%get3A_470, %get3A_471] {strides = array<i32>} : memref<16x512xf32, #tpu.memory_space<vmem>>, vector<16xf32>,
      %add3A_473 = arith.constant 12 : i32
      %add3A_474 = vector.broadcast %add3A_473 : i32 to vector<16xi32>
      %add3A_475 = arith.addi %mul3A_322, %add3A_474 : vector<16xi32>
      %gather3A_476 = tpu.vector_load_idx %arg8[%add3A_313, %add3A_475] : memref<512x128xf32, #tpu.memory_space<vmem>>[vector<16xi32>, vector<16xi32>], vector<16xf32>,
      %mul3A_477 = arith.mulf %get3A_472, %gather3A_476 : vector<16xf32>
      %add3A_478 = arith.addf %add3A_466, %mul3A_477 : vector<16xf32>
      %mul3A_479 = arith.constant 16 : i32
      %mul3A_480 = arith.muli %scan3A_309, %mul3A_479 : i32
      %get3A_481 = arith.constant 13 : i32
      %get3A_482 = arith.index_cast %get3A_481 : i32 to index
      %get3A_483 = arith.index_cast %mul3A_480 : i32 to index
      %get3A_484 = tpu.vector_load %arg9[%get3A_482, %get3A_483] {strides = array<i32>} : memref<16x512xf32, #tpu.memory_space<vmem>>, vector<16xf32>,
      %add3A_485 = arith.constant 13 : i32
      %add3A_486 = vector.broadcast %add3A_485 : i32 to vector<16xi32>
      %add3A_487 = arith.addi %mul3A_322, %add3A_486 : vector<16xi32>
      %gather3A_488 = tpu.vector_load_idx %arg8[%add3A_313, %add3A_487] : memref<512x128xf32, #tpu.memory_space<vmem>>[vector<16xi32>, vector<16xi32>], vector<16xf32>,
      %mul3A_489 = arith.mulf %get3A_484, %gather3A_488 : vector<16xf32>
      %add3A_490 = arith.addf %add3A_478, %mul3A_489 : vector<16xf32>
      %mul3A_491 = arith.constant 16 : i32
      %mul3A_492 = arith.muli %scan3A_309, %mul3A_491 : i32
      %get3A_493 = arith.constant 14 : i32
      %get3A_494 = arith.index_cast %get3A_493 : i32 to index
      %get3A_495 = arith.index_cast %mul3A_492 : i32 to index
      %get3A_496 = tpu.vector_load %arg9[%get3A_494, %get3A_495] {strides = array<i32>} : memref<16x512xf32, #tpu.memory_space<vmem>>, vector<16xf32>,
      %add3A_497 = arith.constant 14 : i32
      %add3A_498 = vector.broadcast %add3A_497 : i32 to vector<16xi32>
      %add3A_499 = arith.addi %mul3A_322, %add3A_498 : vector<16xi32>
      %gather3A_500 = tpu.vector_load_idx %arg8[%add3A_313, %add3A_499] : memref<512x128xf32, #tpu.memory_space<vmem>>[vector<16xi32>, vector<16xi32>], vector<16xf32>,
      %mul3A_501 = arith.mulf %get3A_496, %gather3A_500 : vector<16xf32>
      %add3A_502 = arith.addf %add3A_490, %mul3A_501 : vector<16xf32>
      %mul3A_503 = arith.constant 16 : i32
      %mul3A_504 = arith.muli %scan3A_309, %mul3A_503 : i32
      %get3A_505 = arith.constant 15 : i32
      %get3A_506 = arith.index_cast %get3A_505 : i32 to index
      %get3A_507 = arith.index_cast %mul3A_504 : i32 to index
      %get3A_508 = tpu.vector_load %arg9[%get3A_506, %get3A_507] {strides = array<i32>} : memref<16x512xf32, #tpu.memory_space<vmem>>, vector<16xf32>,
      %add3A_509 = arith.constant 15 : i32
      %add3A_510 = vector.broadcast %add3A_509 : i32 to vector<16xi32>
      %add3A_511 = arith.addi %mul3A_322, %add3A_510 : vector<16xi32>
      %gather3A_512 = tpu.vector_load_idx %arg8[%add3A_313, %add3A_511] : memref<512x128xf32, #tpu.memory_space<vmem>>[vector<16xi32>, vector<16xi32>], vector<16xf32>,
      %mul3A_513 = arith.mulf %get3A_508, %gather3A_512 : vector<16xf32>
      %add3A_514 = arith.addf %add3A_502, %mul3A_513 : vector<16xf32>
      %neg3A = arith.constant 0.000000e+00 : f32
      %neg3A_515 = vector.broadcast %neg3A : f32 to vector<16xf32>
      %neg3A_516 = arith.subf %neg3A_515, %add3A_514 : vector<16xf32>
      %exp3A = math.exp %neg3A_516 : vector<16xf32>
      %add3A_517 = arith.constant 1.000000e+00 : f32
      %add3A_518 = vector.broadcast %add3A_517 : f32 to vector<16xf32>
      %add3A_519 = arith.addf %add3A_518, %exp3A : vector<16xf32>
      %div3A = arith.constant 1.000000e+00 : f32
      %div3A_520 = vector.broadcast %div3A : f32 to vector<16xf32>
      %div3A_521 = arith.divf %div3A_520, %add3A_519 : vector<16xf32>
      %mul3A_522 = arith.constant 16 : i32
      %mul3A_523 = arith.muli %scan3A_309, %mul3A_522 : i32
      %swap3A_524 = arith.index_cast %mul3A_523 : i32 to index
      %swap3A_525 = tpu.vector_load %arg10[%swap3A_524] {strides = array<i32>} : memref<512xf32, #tpu.memory_space<vmem>>, vector<16xf32>,
      tpu.vector_store %arg10[%swap3A_524], %div3A_521 {strides = array<i32>} : memref<512xf32, #tpu.memory_space<vmem>>, vector<16xf32>,
    }
    %scan3A_266 = arith.constant 8 : i32
    %dma_wait3A_267 = arith.constant 128 : i32
    %dma_wait3A_268 = arith.constant 0 : i32
    %dma_wait3A_269 = tpu.memref_slice %arg8[%dma_wait3A_267, %dma_wait3A_268] : memref<512x128xf32, #tpu.memory_space<vmem>> -> memref<128x128xf32, #tpu.memory_space<vmem>>
    %dma_wait3A_270 = arith.constant 128 : i32
    %dma_wait3A_271 = tpu.memref_slice %arg7[%dma_wait3A_270] : memref<512xi32, #tpu.memory_space<vmem>> -> memref<128xi32, #tpu.memory_space<vmem>>
    %dma_wait3A_272 = arith.constant 0 : i32
    %dma_wait3A_273 = arith.constant 0 : i32
    %dma_wait3A_274 = tpu.memref_slice %arg4[%dma_wait3A_272, %dma_wait3A_273] : memref<12500x128xf32, #tpu.memory_space<hbm>> -> memref<12500x128xf32, #tpu.memory_space<hbm>>
    tpu.wait_indirect_dma semaphore(%arg11 : memref<!tpu.dma_semaphore, #tpu.memory_space<semaphore_mem>>) src(%dma_wait3A_274 : memref<12500x128xf32, #tpu.memory_space<hbm>>) dst(%dma_wait3A_269 : memref<128x128xf32, #tpu.memory_space<vmem>>)
    %scan3A_275 = arith.constant 0 : i32
    %scan3A_276 = arith.constant 8 : i32
    %scan3A_277 = arith.constant 8 : i32
    %scan3A_278 = arith.addi %scan3A_276, %scan3A_277 : i32
    %scan3A_279 = arith.constant 1 : i32
    scf.for %scan3A_309 = %scan3A_276 to %scan3A_278 step %scan3A_279  : i32 {
      %mul3A_310 = arith.constant 16 : i32
      %mul3A_311 = arith.muli %scan3A_309, %mul3A_310 : i32
      %add3A_312 = vector.broadcast %mul3A_311 : i32 to vector<16xi32>
      %add3A_313 = arith.addi %add3A_312, %iota3A : vector<16xi32>
      %mul3A_314 = arith.constant 16 : i32
      %mul3A_315 = arith.muli %scan3A_309, %mul3A_314 : i32
      %get3A_316 = arith.index_cast %mul3A_315 : i32 to index
      %get3A_317 = tpu.vector_load %arg6[%get3A_316] {strides = array<i32>} : memref<512xi32, #tpu.memory_space<vmem>>, vector<16xi32>,
      %and3A = arith.constant 7 : i32
      %and3A_318 = vector.broadcast %and3A : i32 to vector<16xi32>
      %and3A_319 = arith.andi %get3A_317, %and3A_318 : vector<16xi32>
      %mul3A_320 = arith.constant 16 : i32
      %mul3A_321 = vector.broadcast %mul3A_320 : i32 to vector<16xi32>
      %mul3A_322 = arith.muli %and3A_319, %mul3A_321 : vector<16xi32>
      %broadcast_in_dim3A = arith.constant 0.000000e+00 : f32
      %broadcast_in_dim3A_323 = vector.broadcast %broadcast_in_dim3A : f32 to vector<16xf32>
      %mul3A_324 = arith.constant 16 : i32
      %mul3A_325 = arith.muli %scan3A_309, %mul3A_324 : i32
      %get3A_326 = arith.constant 0 : i32
      %get3A_327 = arith.index_cast %get3A_326 : i32 to index
      %get3A_328 = arith.index_cast %mul3A_325 : i32 to index
      %get3A_329 = tpu.vector_load %arg9[%get3A_327, %get3A_328] {strides = array<i32>} : memref<16x512xf32, #tpu.memory_space<vmem>>, vector<16xf32>,
      %add3A_330 = arith.constant 0 : i32
      %add3A_331 = vector.broadcast %add3A_330 : i32 to vector<16xi32>
      %add3A_332 = arith.addi %mul3A_322, %add3A_331 : vector<16xi32>
      %gather3A = tpu.vector_load_idx %arg8[%add3A_313, %add3A_332] : memref<512x128xf32, #tpu.memory_space<vmem>>[vector<16xi32>, vector<16xi32>], vector<16xf32>,
      %mul3A_333 = arith.mulf %get3A_329, %gather3A : vector<16xf32>
      %add3A_334 = arith.addf %broadcast_in_dim3A_323, %mul3A_333 : vector<16xf32>
      %mul3A_335 = arith.constant 16 : i32
      %mul3A_336 = arith.muli %scan3A_309, %mul3A_335 : i32
      %get3A_337 = arith.constant 1 : i32
      %get3A_338 = arith.index_cast %get3A_337 : i32 to index
      %get3A_339 = arith.index_cast %mul3A_336 : i32 to index
      %get3A_340 = tpu.vector_load %arg9[%get3A_338, %get3A_339] {strides = array<i32>} : memref<16x512xf32, #tpu.memory_space<vmem>>, vector<16xf32>,
      %add3A_341 = arith.constant 1 : i32
      %add3A_342 = vector.broadcast %add3A_341 : i32 to vector<16xi32>
      %add3A_343 = arith.addi %mul3A_322, %add3A_342 : vector<16xi32>
      %gather3A_344 = tpu.vector_load_idx %arg8[%add3A_313, %add3A_343] : memref<512x128xf32, #tpu.memory_space<vmem>>[vector<16xi32>, vector<16xi32>], vector<16xf32>,
      %mul3A_345 = arith.mulf %get3A_340, %gather3A_344 : vector<16xf32>
      %add3A_346 = arith.addf %add3A_334, %mul3A_345 : vector<16xf32>
      %mul3A_347 = arith.constant 16 : i32
      %mul3A_348 = arith.muli %scan3A_309, %mul3A_347 : i32
      %get3A_349 = arith.constant 2 : i32
      %get3A_350 = arith.index_cast %get3A_349 : i32 to index
      %get3A_351 = arith.index_cast %mul3A_348 : i32 to index
      %get3A_352 = tpu.vector_load %arg9[%get3A_350, %get3A_351] {strides = array<i32>} : memref<16x512xf32, #tpu.memory_space<vmem>>, vector<16xf32>,
      %add3A_353 = arith.constant 2 : i32
      %add3A_354 = vector.broadcast %add3A_353 : i32 to vector<16xi32>
      %add3A_355 = arith.addi %mul3A_322, %add3A_354 : vector<16xi32>
      %gather3A_356 = tpu.vector_load_idx %arg8[%add3A_313, %add3A_355] : memref<512x128xf32, #tpu.memory_space<vmem>>[vector<16xi32>, vector<16xi32>], vector<16xf32>,
      %mul3A_357 = arith.mulf %get3A_352, %gather3A_356 : vector<16xf32>
      %add3A_358 = arith.addf %add3A_346, %mul3A_357 : vector<16xf32>
      %mul3A_359 = arith.constant 16 : i32
      %mul3A_360 = arith.muli %scan3A_309, %mul3A_359 : i32
      %get3A_361 = arith.constant 3 : i32
      %get3A_362 = arith.index_cast %get3A_361 : i32 to index
      %get3A_363 = arith.index_cast %mul3A_360 : i32 to index
      %get3A_364 = tpu.vector_load %arg9[%get3A_362, %get3A_363] {strides = array<i32>} : memref<16x512xf32, #tpu.memory_space<vmem>>, vector<16xf32>,
      %add3A_365 = arith.constant 3 : i32
      %add3A_366 = vector.broadcast %add3A_365 : i32 to vector<16xi32>
      %add3A_367 = arith.addi %mul3A_322, %add3A_366 : vector<16xi32>
      %gather3A_368 = tpu.vector_load_idx %arg8[%add3A_313, %add3A_367] : memref<512x128xf32, #tpu.memory_space<vmem>>[vector<16xi32>, vector<16xi32>], vector<16xf32>,
      %mul3A_369 = arith.mulf %get3A_364, %gather3A_368 : vector<16xf32>
      %add3A_370 = arith.addf %add3A_358, %mul3A_369 : vector<16xf32>
      %mul3A_371 = arith.constant 16 : i32
      %mul3A_372 = arith.muli %scan3A_309, %mul3A_371 : i32
      %get3A_373 = arith.constant 4 : i32
      %get3A_374 = arith.index_cast %get3A_373 : i32 to index
      %get3A_375 = arith.index_cast %mul3A_372 : i32 to index
      %get3A_376 = tpu.vector_load %arg9[%get3A_374, %get3A_375] {strides = array<i32>} : memref<16x512xf32, #tpu.memory_space<vmem>>, vector<16xf32>,
      %add3A_377 = arith.constant 4 : i32
      %add3A_378 = vector.broadcast %add3A_377 : i32 to vector<16xi32>
      %add3A_379 = arith.addi %mul3A_322, %add3A_378 : vector<16xi32>
      %gather3A_380 = tpu.vector_load_idx %arg8[%add3A_313, %add3A_379] : memref<512x128xf32, #tpu.memory_space<vmem>>[vector<16xi32>, vector<16xi32>], vector<16xf32>,
      %mul3A_381 = arith.mulf %get3A_376, %gather3A_380 : vector<16xf32>
      %add3A_382 = arith.addf %add3A_370, %mul3A_381 : vector<16xf32>
      %mul3A_383 = arith.constant 16 : i32
      %mul3A_384 = arith.muli %scan3A_309, %mul3A_383 : i32
      %get3A_385 = arith.constant 5 : i32
      %get3A_386 = arith.index_cast %get3A_385 : i32 to index
      %get3A_387 = arith.index_cast %mul3A_384 : i32 to index
      %get3A_388 = tpu.vector_load %arg9[%get3A_386, %get3A_387] {strides = array<i32>} : memref<16x512xf32, #tpu.memory_space<vmem>>, vector<16xf32>,
      %add3A_389 = arith.constant 5 : i32
      %add3A_390 = vector.broadcast %add3A_389 : i32 to vector<16xi32>
      %add3A_391 = arith.addi %mul3A_322, %add3A_390 : vector<16xi32>
      %gather3A_392 = tpu.vector_load_idx %arg8[%add3A_313, %add3A_391] : memref<512x128xf32, #tpu.memory_space<vmem>>[vector<16xi32>, vector<16xi32>], vector<16xf32>,
      %mul3A_393 = arith.mulf %get3A_388, %gather3A_392 : vector<16xf32>
      %add3A_394 = arith.addf %add3A_382, %mul3A_393 : vector<16xf32>
      %mul3A_395 = arith.constant 16 : i32
      %mul3A_396 = arith.muli %scan3A_309, %mul3A_395 : i32
      %get3A_397 = arith.constant 6 : i32
      %get3A_398 = arith.index_cast %get3A_397 : i32 to index
      %get3A_399 = arith.index_cast %mul3A_396 : i32 to index
      %get3A_400 = tpu.vector_load %arg9[%get3A_398, %get3A_399] {strides = array<i32>} : memref<16x512xf32, #tpu.memory_space<vmem>>, vector<16xf32>,
      %add3A_401 = arith.constant 6 : i32
      %add3A_402 = vector.broadcast %add3A_401 : i32 to vector<16xi32>
      %add3A_403 = arith.addi %mul3A_322, %add3A_402 : vector<16xi32>
      %gather3A_404 = tpu.vector_load_idx %arg8[%add3A_313, %add3A_403] : memref<512x128xf32, #tpu.memory_space<vmem>>[vector<16xi32>, vector<16xi32>], vector<16xf32>,
      %mul3A_405 = arith.mulf %get3A_400, %gather3A_404 : vector<16xf32>
      %add3A_406 = arith.addf %add3A_394, %mul3A_405 : vector<16xf32>
      %mul3A_407 = arith.constant 16 : i32
      %mul3A_408 = arith.muli %scan3A_309, %mul3A_407 : i32
      %get3A_409 = arith.constant 7 : i32
      %get3A_410 = arith.index_cast %get3A_409 : i32 to index
      %get3A_411 = arith.index_cast %mul3A_408 : i32 to index
      %get3A_412 = tpu.vector_load %arg9[%get3A_410, %get3A_411] {strides = array<i32>} : memref<16x512xf32, #tpu.memory_space<vmem>>, vector<16xf32>,
      %add3A_413 = arith.constant 7 : i32
      %add3A_414 = vector.broadcast %add3A_413 : i32 to vector<16xi32>
      %add3A_415 = arith.addi %mul3A_322, %add3A_414 : vector<16xi32>
      %gather3A_416 = tpu.vector_load_idx %arg8[%add3A_313, %add3A_415] : memref<512x128xf32, #tpu.memory_space<vmem>>[vector<16xi32>, vector<16xi32>], vector<16xf32>,
      %mul3A_417 = arith.mulf %get3A_412, %gather3A_416 : vector<16xf32>
      %add3A_418 = arith.addf %add3A_406, %mul3A_417 : vector<16xf32>
      %mul3A_419 = arith.constant 16 : i32
      %mul3A_420 = arith.muli %scan3A_309, %mul3A_419 : i32
      %get3A_421 = arith.constant 8 : i32
      %get3A_422 = arith.index_cast %get3A_421 : i32 to index
      %get3A_423 = arith.index_cast %mul3A_420 : i32 to index
      %get3A_424 = tpu.vector_load %arg9[%get3A_422, %get3A_423] {strides = array<i32>} : memref<16x512xf32, #tpu.memory_space<vmem>>, vector<16xf32>,
      %add3A_425 = arith.constant 8 : i32
      %add3A_426 = vector.broadcast %add3A_425 : i32 to vector<16xi32>
      %add3A_427 = arith.addi %mul3A_322, %add3A_426 : vector<16xi32>
      %gather3A_428 = tpu.vector_load_idx %arg8[%add3A_313, %add3A_427] : memref<512x128xf32, #tpu.memory_space<vmem>>[vector<16xi32>, vector<16xi32>], vector<16xf32>,
      %mul3A_429 = arith.mulf %get3A_424, %gather3A_428 : vector<16xf32>
      %add3A_430 = arith.addf %add3A_418, %mul3A_429 : vector<16xf32>
      %mul3A_431 = arith.constant 16 : i32
      %mul3A_432 = arith.muli %scan3A_309, %mul3A_431 : i32
      %get3A_433 = arith.constant 9 : i32
      %get3A_434 = arith.index_cast %get3A_433 : i32 to index
      %get3A_435 = arith.index_cast %mul3A_432 : i32 to index
      %get3A_436 = tpu.vector_load %arg9[%get3A_434, %get3A_435] {strides = array<i32>} : memref<16x512xf32, #tpu.memory_space<vmem>>, vector<16xf32>,
      %add3A_437 = arith.constant 9 : i32
      %add3A_438 = vector.broadcast %add3A_437 : i32 to vector<16xi32>
      %add3A_439 = arith.addi %mul3A_322, %add3A_438 : vector<16xi32>
      %gather3A_440 = tpu.vector_load_idx %arg8[%add3A_313, %add3A_439] : memref<512x128xf32, #tpu.memory_space<vmem>>[vector<16xi32>, vector<16xi32>], vector<16xf32>,
      %mul3A_441 = arith.mulf %get3A_436, %gather3A_440 : vector<16xf32>
      %add3A_442 = arith.addf %add3A_430, %mul3A_441 : vector<16xf32>
      %mul3A_443 = arith.constant 16 : i32
      %mul3A_444 = arith.muli %scan3A_309, %mul3A_443 : i32
      %get3A_445 = arith.constant 10 : i32
      %get3A_446 = arith.index_cast %get3A_445 : i32 to index
      %get3A_447 = arith.index_cast %mul3A_444 : i32 to index
      %get3A_448 = tpu.vector_load %arg9[%get3A_446, %get3A_447] {strides = array<i32>} : memref<16x512xf32, #tpu.memory_space<vmem>>, vector<16xf32>,
      %add3A_449 = arith.constant 10 : i32
      %add3A_450 = vector.broadcast %add3A_449 : i32 to vector<16xi32>
      %add3A_451 = arith.addi %mul3A_322, %add3A_450 : vector<16xi32>
      %gather3A_452 = tpu.vector_load_idx %arg8[%add3A_313, %add3A_451] : memref<512x128xf32, #tpu.memory_space<vmem>>[vector<16xi32>, vector<16xi32>], vector<16xf32>,
      %mul3A_453 = arith.mulf %get3A_448, %gather3A_452 : vector<16xf32>
      %add3A_454 = arith.addf %add3A_442, %mul3A_453 : vector<16xf32>
      %mul3A_455 = arith.constant 16 : i32
      %mul3A_456 = arith.muli %scan3A_309, %mul3A_455 : i32
      %get3A_457 = arith.constant 11 : i32
      %get3A_458 = arith.index_cast %get3A_457 : i32 to index
      %get3A_459 = arith.index_cast %mul3A_456 : i32 to index
      %get3A_460 = tpu.vector_load %arg9[%get3A_458, %get3A_459] {strides = array<i32>} : memref<16x512xf32, #tpu.memory_space<vmem>>, vector<16xf32>,
      %add3A_461 = arith.constant 11 : i32
      %add3A_462 = vector.broadcast %add3A_461 : i32 to vector<16xi32>
      %add3A_463 = arith.addi %mul3A_322, %add3A_462 : vector<16xi32>
      %gather3A_464 = tpu.vector_load_idx %arg8[%add3A_313, %add3A_463] : memref<512x128xf32, #tpu.memory_space<vmem>>[vector<16xi32>, vector<16xi32>], vector<16xf32>,
      %mul3A_465 = arith.mulf %get3A_460, %gather3A_464 : vector<16xf32>
      %add3A_466 = arith.addf %add3A_454, %mul3A_465 : vector<16xf32>
      %mul3A_467 = arith.constant 16 : i32
      %mul3A_468 = arith.muli %scan3A_309, %mul3A_467 : i32
      %get3A_469 = arith.constant 12 : i32
      %get3A_470 = arith.index_cast %get3A_469 : i32 to index
      %get3A_471 = arith.index_cast %mul3A_468 : i32 to index
      %get3A_472 = tpu.vector_load %arg9[%get3A_470, %get3A_471] {strides = array<i32>} : memref<16x512xf32, #tpu.memory_space<vmem>>, vector<16xf32>,
      %add3A_473 = arith.constant 12 : i32
      %add3A_474 = vector.broadcast %add3A_473 : i32 to vector<16xi32>
      %add3A_475 = arith.addi %mul3A_322, %add3A_474 : vector<16xi32>
      %gather3A_476 = tpu.vector_load_idx %arg8[%add3A_313, %add3A_475] : memref<512x128xf32, #tpu.memory_space<vmem>>[vector<16xi32>, vector<16xi32>], vector<16xf32>,
      %mul3A_477 = arith.mulf %get3A_472, %gather3A_476 : vector<16xf32>
      %add3A_478 = arith.addf %add3A_466, %mul3A_477 : vector<16xf32>
      %mul3A_479 = arith.constant 16 : i32
      %mul3A_480 = arith.muli %scan3A_309, %mul3A_479 : i32
      %get3A_481 = arith.constant 13 : i32
      %get3A_482 = arith.index_cast %get3A_481 : i32 to index
      %get3A_483 = arith.index_cast %mul3A_480 : i32 to index
      %get3A_484 = tpu.vector_load %arg9[%get3A_482, %get3A_483] {strides = array<i32>} : memref<16x512xf32, #tpu.memory_space<vmem>>, vector<16xf32>,
      %add3A_485 = arith.constant 13 : i32
      %add3A_486 = vector.broadcast %add3A_485 : i32 to vector<16xi32>
      %add3A_487 = arith.addi %mul3A_322, %add3A_486 : vector<16xi32>
      %gather3A_488 = tpu.vector_load_idx %arg8[%add3A_313, %add3A_487] : memref<512x128xf32, #tpu.memory_space<vmem>>[vector<16xi32>, vector<16xi32>], vector<16xf32>,
      %mul3A_489 = arith.mulf %get3A_484, %gather3A_488 : vector<16xf32>
      %add3A_490 = arith.addf %add3A_478, %mul3A_489 : vector<16xf32>
      %mul3A_491 = arith.constant 16 : i32
      %mul3A_492 = arith.muli %scan3A_309, %mul3A_491 : i32
      %get3A_493 = arith.constant 14 : i32
      %get3A_494 = arith.index_cast %get3A_493 : i32 to index
      %get3A_495 = arith.index_cast %mul3A_492 : i32 to index
      %get3A_496 = tpu.vector_load %arg9[%get3A_494, %get3A_495] {strides = array<i32>} : memref<16x512xf32, #tpu.memory_space<vmem>>, vector<16xf32>,
      %add3A_497 = arith.constant 14 : i32
      %add3A_498 = vector.broadcast %add3A_497 : i32 to vector<16xi32>
      %add3A_499 = arith.addi %mul3A_322, %add3A_498 : vector<16xi32>
      %gather3A_500 = tpu.vector_load_idx %arg8[%add3A_313, %add3A_499] : memref<512x128xf32, #tpu.memory_space<vmem>>[vector<16xi32>, vector<16xi32>], vector<16xf32>,
      %mul3A_501 = arith.mulf %get3A_496, %gather3A_500 : vector<16xf32>
      %add3A_502 = arith.addf %add3A_490, %mul3A_501 : vector<16xf32>
      %mul3A_503 = arith.constant 16 : i32
      %mul3A_504 = arith.muli %scan3A_309, %mul3A_503 : i32
      %get3A_505 = arith.constant 15 : i32
      %get3A_506 = arith.index_cast %get3A_505 : i32 to index
      %get3A_507 = arith.index_cast %mul3A_504 : i32 to index
      %get3A_508 = tpu.vector_load %arg9[%get3A_506, %get3A_507] {strides = array<i32>} : memref<16x512xf32, #tpu.memory_space<vmem>>, vector<16xf32>,
      %add3A_509 = arith.constant 15 : i32
      %add3A_510 = vector.broadcast %add3A_509 : i32 to vector<16xi32>
      %add3A_511 = arith.addi %mul3A_322, %add3A_510 : vector<16xi32>
      %gather3A_512 = tpu.vector_load_idx %arg8[%add3A_313, %add3A_511] : memref<512x128xf32, #tpu.memory_space<vmem>>[vector<16xi32>, vector<16xi32>], vector<16xf32>,
      %mul3A_513 = arith.mulf %get3A_508, %gather3A_512 : vector<16xf32>
      %add3A_514 = arith.addf %add3A_502, %mul3A_513 : vector<16xf32>
      %neg3A = arith.constant 0.000000e+00 : f32
      %neg3A_515 = vector.broadcast %neg3A : f32 to vector<16xf32>
      %neg3A_516 = arith.subf %neg3A_515, %add3A_514 : vector<16xf32>
      %exp3A = math.exp %neg3A_516 : vector<16xf32>
      %add3A_517 = arith.constant 1.000000e+00 : f32
      %add3A_518 = vector.broadcast %add3A_517 : f32 to vector<16xf32>
      %add3A_519 = arith.addf %add3A_518, %exp3A : vector<16xf32>
      %div3A = arith.constant 1.000000e+00 : f32
      %div3A_520 = vector.broadcast %div3A : f32 to vector<16xf32>
      %div3A_521 = arith.divf %div3A_520, %add3A_519 : vector<16xf32>
      %mul3A_522 = arith.constant 16 : i32
      %mul3A_523 = arith.muli %scan3A_309, %mul3A_522 : i32
      %swap3A_524 = arith.index_cast %mul3A_523 : i32 to index
      %swap3A_525 = tpu.vector_load %arg10[%swap3A_524] {strides = array<i32>} : memref<512xf32, #tpu.memory_space<vmem>>, vector<16xf32>,
      tpu.vector_store %arg10[%swap3A_524], %div3A_521 {strides = array<i32>} : memref<512xf32, #tpu.memory_space<vmem>>, vector<16xf32>,
    }
    %scan3A_280 = arith.constant 8 : i32
    %dma_wait3A_281 = arith.constant 256 : i32
    %dma_wait3A_282 = arith.constant 0 : i32
    %dma_wait3A_283 = tpu.memref_slice %arg8[%dma_wait3A_281, %dma_wait3A_282] : memref<512x128xf32, #tpu.memory_space<vmem>> -> memref<128x128xf32, #tpu.memory_space<vmem>>
    %dma_wait3A_284 = arith.constant 256 : i32
    %dma_wait3A_285 = tpu.memref_slice %arg7[%dma_wait3A_284] : memref<512xi32, #tpu.memory_space<vmem>> -> memref<128xi32, #tpu.memory_space<vmem>>
    %dma_wait3A_286 = arith.constant 0 : i32
    %dma_wait3A_287 = arith.constant 0 : i32
    %dma_wait3A_288 = tpu.memref_slice %arg4[%dma_wait3A_286, %dma_wait3A_287] : memref<12500x128xf32, #tpu.memory_space<hbm>> -> memref<12500x128xf32, #tpu.memory_space<hbm>>
    tpu.wait_indirect_dma semaphore(%arg11 : memref<!tpu.dma_semaphore, #tpu.memory_space<semaphore_mem>>) src(%dma_wait3A_288 : memref<12500x128xf32, #tpu.memory_space<hbm>>) dst(%dma_wait3A_283 : memref<128x128xf32, #tpu.memory_space<vmem>>)
    %scan3A_289 = arith.constant 0 : i32
    %scan3A_290 = arith.constant 16 : i32
    %scan3A_291 = arith.constant 8 : i32
    %scan3A_292 = arith.addi %scan3A_290, %scan3A_291 : i32
    %scan3A_293 = arith.constant 1 : i32
    scf.for %scan3A_309 = %scan3A_290 to %scan3A_292 step %scan3A_293  : i32 {
      %mul3A_310 = arith.constant 16 : i32
      %mul3A_311 = arith.muli %scan3A_309, %mul3A_310 : i32
      %add3A_312 = vector.broadcast %mul3A_311 : i32 to vector<16xi32>
      %add3A_313 = arith.addi %add3A_312, %iota3A : vector<16xi32>
      %mul3A_314 = arith.constant 16 : i32
      %mul3A_315 = arith.muli %scan3A_309, %mul3A_314 : i32
      %get3A_316 = arith.index_cast %mul3A_315 : i32 to index
      %get3A_317 = tpu.vector_load %arg6[%get3A_316] {strides = array<i32>} : memref<512xi32, #tpu.memory_space<vmem>>, vector<16xi32>,
      %and3A = arith.constant 7 : i32
      %and3A_318 = vector.broadcast %and3A : i32 to vector<16xi32>
      %and3A_319 = arith.andi %get3A_317, %and3A_318 : vector<16xi32>
      %mul3A_320 = arith.constant 16 : i32
      %mul3A_321 = vector.broadcast %mul3A_320 : i32 to vector<16xi32>
      %mul3A_322 = arith.muli %and3A_319, %mul3A_321 : vector<16xi32>
      %broadcast_in_dim3A = arith.constant 0.000000e+00 : f32
      %broadcast_in_dim3A_323 = vector.broadcast %broadcast_in_dim3A : f32 to vector<16xf32>
      %mul3A_324 = arith.constant 16 : i32
      %mul3A_325 = arith.muli %scan3A_309, %mul3A_324 : i32
      %get3A_326 = arith.constant 0 : i32
      %get3A_327 = arith.index_cast %get3A_326 : i32 to index
      %get3A_328 = arith.index_cast %mul3A_325 : i32 to index
      %get3A_329 = tpu.vector_load %arg9[%get3A_327, %get3A_328] {strides = array<i32>} : memref<16x512xf32, #tpu.memory_space<vmem>>, vector<16xf32>,
      %add3A_330 = arith.constant 0 : i32
      %add3A_331 = vector.broadcast %add3A_330 : i32 to vector<16xi32>
      %add3A_332 = arith.addi %mul3A_322, %add3A_331 : vector<16xi32>
      %gather3A = tpu.vector_load_idx %arg8[%add3A_313, %add3A_332] : memref<512x128xf32, #tpu.memory_space<vmem>>[vector<16xi32>, vector<16xi32>], vector<16xf32>,
      %mul3A_333 = arith.mulf %get3A_329, %gather3A : vector<16xf32>
      %add3A_334 = arith.addf %broadcast_in_dim3A_323, %mul3A_333 : vector<16xf32>
      %mul3A_335 = arith.constant 16 : i32
      %mul3A_336 = arith.muli %scan3A_309, %mul3A_335 : i32
      %get3A_337 = arith.constant 1 : i32
      %get3A_338 = arith.index_cast %get3A_337 : i32 to index
      %get3A_339 = arith.index_cast %mul3A_336 : i32 to index
      %get3A_340 = tpu.vector_load %arg9[%get3A_338, %get3A_339] {strides = array<i32>} : memref<16x512xf32, #tpu.memory_space<vmem>>, vector<16xf32>,
      %add3A_341 = arith.constant 1 : i32
      %add3A_342 = vector.broadcast %add3A_341 : i32 to vector<16xi32>
      %add3A_343 = arith.addi %mul3A_322, %add3A_342 : vector<16xi32>
      %gather3A_344 = tpu.vector_load_idx %arg8[%add3A_313, %add3A_343] : memref<512x128xf32, #tpu.memory_space<vmem>>[vector<16xi32>, vector<16xi32>], vector<16xf32>,
      %mul3A_345 = arith.mulf %get3A_340, %gather3A_344 : vector<16xf32>
      %add3A_346 = arith.addf %add3A_334, %mul3A_345 : vector<16xf32>
      %mul3A_347 = arith.constant 16 : i32
      %mul3A_348 = arith.muli %scan3A_309, %mul3A_347 : i32
      %get3A_349 = arith.constant 2 : i32
      %get3A_350 = arith.index_cast %get3A_349 : i32 to index
      %get3A_351 = arith.index_cast %mul3A_348 : i32 to index
      %get3A_352 = tpu.vector_load %arg9[%get3A_350, %get3A_351] {strides = array<i32>} : memref<16x512xf32, #tpu.memory_space<vmem>>, vector<16xf32>,
      %add3A_353 = arith.constant 2 : i32
      %add3A_354 = vector.broadcast %add3A_353 : i32 to vector<16xi32>
      %add3A_355 = arith.addi %mul3A_322, %add3A_354 : vector<16xi32>
      %gather3A_356 = tpu.vector_load_idx %arg8[%add3A_313, %add3A_355] : memref<512x128xf32, #tpu.memory_space<vmem>>[vector<16xi32>, vector<16xi32>], vector<16xf32>,
      %mul3A_357 = arith.mulf %get3A_352, %gather3A_356 : vector<16xf32>
      %add3A_358 = arith.addf %add3A_346, %mul3A_357 : vector<16xf32>
      %mul3A_359 = arith.constant 16 : i32
      %mul3A_360 = arith.muli %scan3A_309, %mul3A_359 : i32
      %get3A_361 = arith.constant 3 : i32
      %get3A_362 = arith.index_cast %get3A_361 : i32 to index
      %get3A_363 = arith.index_cast %mul3A_360 : i32 to index
      %get3A_364 = tpu.vector_load %arg9[%get3A_362, %get3A_363] {strides = array<i32>} : memref<16x512xf32, #tpu.memory_space<vmem>>, vector<16xf32>,
      %add3A_365 = arith.constant 3 : i32
      %add3A_366 = vector.broadcast %add3A_365 : i32 to vector<16xi32>
      %add3A_367 = arith.addi %mul3A_322, %add3A_366 : vector<16xi32>
      %gather3A_368 = tpu.vector_load_idx %arg8[%add3A_313, %add3A_367] : memref<512x128xf32, #tpu.memory_space<vmem>>[vector<16xi32>, vector<16xi32>], vector<16xf32>,
      %mul3A_369 = arith.mulf %get3A_364, %gather3A_368 : vector<16xf32>
      %add3A_370 = arith.addf %add3A_358, %mul3A_369 : vector<16xf32>
      %mul3A_371 = arith.constant 16 : i32
      %mul3A_372 = arith.muli %scan3A_309, %mul3A_371 : i32
      %get3A_373 = arith.constant 4 : i32
      %get3A_374 = arith.index_cast %get3A_373 : i32 to index
      %get3A_375 = arith.index_cast %mul3A_372 : i32 to index
      %get3A_376 = tpu.vector_load %arg9[%get3A_374, %get3A_375] {strides = array<i32>} : memref<16x512xf32, #tpu.memory_space<vmem>>, vector<16xf32>,
      %add3A_377 = arith.constant 4 : i32
      %add3A_378 = vector.broadcast %add3A_377 : i32 to vector<16xi32>
      %add3A_379 = arith.addi %mul3A_322, %add3A_378 : vector<16xi32>
      %gather3A_380 = tpu.vector_load_idx %arg8[%add3A_313, %add3A_379] : memref<512x128xf32, #tpu.memory_space<vmem>>[vector<16xi32>, vector<16xi32>], vector<16xf32>,
      %mul3A_381 = arith.mulf %get3A_376, %gather3A_380 : vector<16xf32>
      %add3A_382 = arith.addf %add3A_370, %mul3A_381 : vector<16xf32>
      %mul3A_383 = arith.constant 16 : i32
      %mul3A_384 = arith.muli %scan3A_309, %mul3A_383 : i32
      %get3A_385 = arith.constant 5 : i32
      %get3A_386 = arith.index_cast %get3A_385 : i32 to index
      %get3A_387 = arith.index_cast %mul3A_384 : i32 to index
      %get3A_388 = tpu.vector_load %arg9[%get3A_386, %get3A_387] {strides = array<i32>} : memref<16x512xf32, #tpu.memory_space<vmem>>, vector<16xf32>,
      %add3A_389 = arith.constant 5 : i32
      %add3A_390 = vector.broadcast %add3A_389 : i32 to vector<16xi32>
      %add3A_391 = arith.addi %mul3A_322, %add3A_390 : vector<16xi32>
      %gather3A_392 = tpu.vector_load_idx %arg8[%add3A_313, %add3A_391] : memref<512x128xf32, #tpu.memory_space<vmem>>[vector<16xi32>, vector<16xi32>], vector<16xf32>,
      %mul3A_393 = arith.mulf %get3A_388, %gather3A_392 : vector<16xf32>
      %add3A_394 = arith.addf %add3A_382, %mul3A_393 : vector<16xf32>
      %mul3A_395 = arith.constant 16 : i32
      %mul3A_396 = arith.muli %scan3A_309, %mul3A_395 : i32
      %get3A_397 = arith.constant 6 : i32
      %get3A_398 = arith.index_cast %get3A_397 : i32 to index
      %get3A_399 = arith.index_cast %mul3A_396 : i32 to index
      %get3A_400 = tpu.vector_load %arg9[%get3A_398, %get3A_399] {strides = array<i32>} : memref<16x512xf32, #tpu.memory_space<vmem>>, vector<16xf32>,
      %add3A_401 = arith.constant 6 : i32
      %add3A_402 = vector.broadcast %add3A_401 : i32 to vector<16xi32>
      %add3A_403 = arith.addi %mul3A_322, %add3A_402 : vector<16xi32>
      %gather3A_404 = tpu.vector_load_idx %arg8[%add3A_313, %add3A_403] : memref<512x128xf32, #tpu.memory_space<vmem>>[vector<16xi32>, vector<16xi32>], vector<16xf32>,
      %mul3A_405 = arith.mulf %get3A_400, %gather3A_404 : vector<16xf32>
      %add3A_406 = arith.addf %add3A_394, %mul3A_405 : vector<16xf32>
      %mul3A_407 = arith.constant 16 : i32
      %mul3A_408 = arith.muli %scan3A_309, %mul3A_407 : i32
      %get3A_409 = arith.constant 7 : i32
      %get3A_410 = arith.index_cast %get3A_409 : i32 to index
      %get3A_411 = arith.index_cast %mul3A_408 : i32 to index
      %get3A_412 = tpu.vector_load %arg9[%get3A_410, %get3A_411] {strides = array<i32>} : memref<16x512xf32, #tpu.memory_space<vmem>>, vector<16xf32>,
      %add3A_413 = arith.constant 7 : i32
      %add3A_414 = vector.broadcast %add3A_413 : i32 to vector<16xi32>
      %add3A_415 = arith.addi %mul3A_322, %add3A_414 : vector<16xi32>
      %gather3A_416 = tpu.vector_load_idx %arg8[%add3A_313, %add3A_415] : memref<512x128xf32, #tpu.memory_space<vmem>>[vector<16xi32>, vector<16xi32>], vector<16xf32>,
      %mul3A_417 = arith.mulf %get3A_412, %gather3A_416 : vector<16xf32>
      %add3A_418 = arith.addf %add3A_406, %mul3A_417 : vector<16xf32>
      %mul3A_419 = arith.constant 16 : i32
      %mul3A_420 = arith.muli %scan3A_309, %mul3A_419 : i32
      %get3A_421 = arith.constant 8 : i32
      %get3A_422 = arith.index_cast %get3A_421 : i32 to index
      %get3A_423 = arith.index_cast %mul3A_420 : i32 to index
      %get3A_424 = tpu.vector_load %arg9[%get3A_422, %get3A_423] {strides = array<i32>} : memref<16x512xf32, #tpu.memory_space<vmem>>, vector<16xf32>,
      %add3A_425 = arith.constant 8 : i32
      %add3A_426 = vector.broadcast %add3A_425 : i32 to vector<16xi32>
      %add3A_427 = arith.addi %mul3A_322, %add3A_426 : vector<16xi32>
      %gather3A_428 = tpu.vector_load_idx %arg8[%add3A_313, %add3A_427] : memref<512x128xf32, #tpu.memory_space<vmem>>[vector<16xi32>, vector<16xi32>], vector<16xf32>,
      %mul3A_429 = arith.mulf %get3A_424, %gather3A_428 : vector<16xf32>
      %add3A_430 = arith.addf %add3A_418, %mul3A_429 : vector<16xf32>
      %mul3A_431 = arith.constant 16 : i32
      %mul3A_432 = arith.muli %scan3A_309, %mul3A_431 : i32
      %get3A_433 = arith.constant 9 : i32
      %get3A_434 = arith.index_cast %get3A_433 : i32 to index
      %get3A_435 = arith.index_cast %mul3A_432 : i32 to index
      %get3A_436 = tpu.vector_load %arg9[%get3A_434, %get3A_435] {strides = array<i32>} : memref<16x512xf32, #tpu.memory_space<vmem>>, vector<16xf32>,
      %add3A_437 = arith.constant 9 : i32
      %add3A_438 = vector.broadcast %add3A_437 : i32 to vector<16xi32>
      %add3A_439 = arith.addi %mul3A_322, %add3A_438 : vector<16xi32>
      %gather3A_440 = tpu.vector_load_idx %arg8[%add3A_313, %add3A_439] : memref<512x128xf32, #tpu.memory_space<vmem>>[vector<16xi32>, vector<16xi32>], vector<16xf32>,
      %mul3A_441 = arith.mulf %get3A_436, %gather3A_440 : vector<16xf32>
      %add3A_442 = arith.addf %add3A_430, %mul3A_441 : vector<16xf32>
      %mul3A_443 = arith.constant 16 : i32
      %mul3A_444 = arith.muli %scan3A_309, %mul3A_443 : i32
      %get3A_445 = arith.constant 10 : i32
      %get3A_446 = arith.index_cast %get3A_445 : i32 to index
      %get3A_447 = arith.index_cast %mul3A_444 : i32 to index
      %get3A_448 = tpu.vector_load %arg9[%get3A_446, %get3A_447] {strides = array<i32>} : memref<16x512xf32, #tpu.memory_space<vmem>>, vector<16xf32>,
      %add3A_449 = arith.constant 10 : i32
      %add3A_450 = vector.broadcast %add3A_449 : i32 to vector<16xi32>
      %add3A_451 = arith.addi %mul3A_322, %add3A_450 : vector<16xi32>
      %gather3A_452 = tpu.vector_load_idx %arg8[%add3A_313, %add3A_451] : memref<512x128xf32, #tpu.memory_space<vmem>>[vector<16xi32>, vector<16xi32>], vector<16xf32>,
      %mul3A_453 = arith.mulf %get3A_448, %gather3A_452 : vector<16xf32>
      %add3A_454 = arith.addf %add3A_442, %mul3A_453 : vector<16xf32>
      %mul3A_455 = arith.constant 16 : i32
      %mul3A_456 = arith.muli %scan3A_309, %mul3A_455 : i32
      %get3A_457 = arith.constant 11 : i32
      %get3A_458 = arith.index_cast %get3A_457 : i32 to index
      %get3A_459 = arith.index_cast %mul3A_456 : i32 to index
      %get3A_460 = tpu.vector_load %arg9[%get3A_458, %get3A_459] {strides = array<i32>} : memref<16x512xf32, #tpu.memory_space<vmem>>, vector<16xf32>,
      %add3A_461 = arith.constant 11 : i32
      %add3A_462 = vector.broadcast %add3A_461 : i32 to vector<16xi32>
      %add3A_463 = arith.addi %mul3A_322, %add3A_462 : vector<16xi32>
      %gather3A_464 = tpu.vector_load_idx %arg8[%add3A_313, %add3A_463] : memref<512x128xf32, #tpu.memory_space<vmem>>[vector<16xi32>, vector<16xi32>], vector<16xf32>,
      %mul3A_465 = arith.mulf %get3A_460, %gather3A_464 : vector<16xf32>
      %add3A_466 = arith.addf %add3A_454, %mul3A_465 : vector<16xf32>
      %mul3A_467 = arith.constant 16 : i32
      %mul3A_468 = arith.muli %scan3A_309, %mul3A_467 : i32
      %get3A_469 = arith.constant 12 : i32
      %get3A_470 = arith.index_cast %get3A_469 : i32 to index
      %get3A_471 = arith.index_cast %mul3A_468 : i32 to index
      %get3A_472 = tpu.vector_load %arg9[%get3A_470, %get3A_471] {strides = array<i32>} : memref<16x512xf32, #tpu.memory_space<vmem>>, vector<16xf32>,
      %add3A_473 = arith.constant 12 : i32
      %add3A_474 = vector.broadcast %add3A_473 : i32 to vector<16xi32>
      %add3A_475 = arith.addi %mul3A_322, %add3A_474 : vector<16xi32>
      %gather3A_476 = tpu.vector_load_idx %arg8[%add3A_313, %add3A_475] : memref<512x128xf32, #tpu.memory_space<vmem>>[vector<16xi32>, vector<16xi32>], vector<16xf32>,
      %mul3A_477 = arith.mulf %get3A_472, %gather3A_476 : vector<16xf32>
      %add3A_478 = arith.addf %add3A_466, %mul3A_477 : vector<16xf32>
      %mul3A_479 = arith.constant 16 : i32
      %mul3A_480 = arith.muli %scan3A_309, %mul3A_479 : i32
      %get3A_481 = arith.constant 13 : i32
      %get3A_482 = arith.index_cast %get3A_481 : i32 to index
      %get3A_483 = arith.index_cast %mul3A_480 : i32 to index
      %get3A_484 = tpu.vector_load %arg9[%get3A_482, %get3A_483] {strides = array<i32>} : memref<16x512xf32, #tpu.memory_space<vmem>>, vector<16xf32>,
      %add3A_485 = arith.constant 13 : i32
      %add3A_486 = vector.broadcast %add3A_485 : i32 to vector<16xi32>
      %add3A_487 = arith.addi %mul3A_322, %add3A_486 : vector<16xi32>
      %gather3A_488 = tpu.vector_load_idx %arg8[%add3A_313, %add3A_487] : memref<512x128xf32, #tpu.memory_space<vmem>>[vector<16xi32>, vector<16xi32>], vector<16xf32>,
      %mul3A_489 = arith.mulf %get3A_484, %gather3A_488 : vector<16xf32>
      %add3A_490 = arith.addf %add3A_478, %mul3A_489 : vector<16xf32>
      %mul3A_491 = arith.constant 16 : i32
      %mul3A_492 = arith.muli %scan3A_309, %mul3A_491 : i32
      %get3A_493 = arith.constant 14 : i32
      %get3A_494 = arith.index_cast %get3A_493 : i32 to index
      %get3A_495 = arith.index_cast %mul3A_492 : i32 to index
      %get3A_496 = tpu.vector_load %arg9[%get3A_494, %get3A_495] {strides = array<i32>} : memref<16x512xf32, #tpu.memory_space<vmem>>, vector<16xf32>,
      %add3A_497 = arith.constant 14 : i32
      %add3A_498 = vector.broadcast %add3A_497 : i32 to vector<16xi32>
      %add3A_499 = arith.addi %mul3A_322, %add3A_498 : vector<16xi32>
      %gather3A_500 = tpu.vector_load_idx %arg8[%add3A_313, %add3A_499] : memref<512x128xf32, #tpu.memory_space<vmem>>[vector<16xi32>, vector<16xi32>], vector<16xf32>,
      %mul3A_501 = arith.mulf %get3A_496, %gather3A_500 : vector<16xf32>
      %add3A_502 = arith.addf %add3A_490, %mul3A_501 : vector<16xf32>
      %mul3A_503 = arith.constant 16 : i32
      %mul3A_504 = arith.muli %scan3A_309, %mul3A_503 : i32
      %get3A_505 = arith.constant 15 : i32
      %get3A_506 = arith.index_cast %get3A_505 : i32 to index
      %get3A_507 = arith.index_cast %mul3A_504 : i32 to index
      %get3A_508 = tpu.vector_load %arg9[%get3A_506, %get3A_507] {strides = array<i32>} : memref<16x512xf32, #tpu.memory_space<vmem>>, vector<16xf32>,
      %add3A_509 = arith.constant 15 : i32
      %add3A_510 = vector.broadcast %add3A_509 : i32 to vector<16xi32>
      %add3A_511 = arith.addi %mul3A_322, %add3A_510 : vector<16xi32>
      %gather3A_512 = tpu.vector_load_idx %arg8[%add3A_313, %add3A_511] : memref<512x128xf32, #tpu.memory_space<vmem>>[vector<16xi32>, vector<16xi32>], vector<16xf32>,
      %mul3A_513 = arith.mulf %get3A_508, %gather3A_512 : vector<16xf32>
      %add3A_514 = arith.addf %add3A_502, %mul3A_513 : vector<16xf32>
      %neg3A = arith.constant 0.000000e+00 : f32
      %neg3A_515 = vector.broadcast %neg3A : f32 to vector<16xf32>
      %neg3A_516 = arith.subf %neg3A_515, %add3A_514 : vector<16xf32>
      %exp3A = math.exp %neg3A_516 : vector<16xf32>
      %add3A_517 = arith.constant 1.000000e+00 : f32
      %add3A_518 = vector.broadcast %add3A_517 : f32 to vector<16xf32>
      %add3A_519 = arith.addf %add3A_518, %exp3A : vector<16xf32>
      %div3A = arith.constant 1.000000e+00 : f32
      %div3A_520 = vector.broadcast %div3A : f32 to vector<16xf32>
      %div3A_521 = arith.divf %div3A_520, %add3A_519 : vector<16xf32>
      %mul3A_522 = arith.constant 16 : i32
      %mul3A_523 = arith.muli %scan3A_309, %mul3A_522 : i32
      %swap3A_524 = arith.index_cast %mul3A_523 : i32 to index
      %swap3A_525 = tpu.vector_load %arg10[%swap3A_524] {strides = array<i32>} : memref<512xf32, #tpu.memory_space<vmem>>, vector<16xf32>,
      tpu.vector_store %arg10[%swap3A_524], %div3A_521 {strides = array<i32>} : memref<512xf32, #tpu.memory_space<vmem>>, vector<16xf32>,
    }
    %scan3A_294 = arith.constant 8 : i32
    %dma_wait3A_295 = arith.constant 384 : i32
    %dma_wait3A_296 = arith.constant 0 : i32
    %dma_wait3A_297 = tpu.memref_slice %arg8[%dma_wait3A_295, %dma_wait3A_296] : memref<512x128xf32, #tpu.memory_space<vmem>> -> memref<128x128xf32, #tpu.memory_space<vmem>>
    %dma_wait3A_298 = arith.constant 384 : i32
    %dma_wait3A_299 = tpu.memref_slice %arg7[%dma_wait3A_298] : memref<512xi32, #tpu.memory_space<vmem>> -> memref<128xi32, #tpu.memory_space<vmem>>
    %dma_wait3A_300 = arith.constant 0 : i32
    %dma_wait3A_301 = arith.constant 0 : i32
    %dma_wait3A_302 = tpu.memref_slice %arg4[%dma_wait3A_300, %dma_wait3A_301] : memref<12500x128xf32, #tpu.memory_space<hbm>> -> memref<12500x128xf32, #tpu.memory_space<hbm>>
    tpu.wait_indirect_dma semaphore(%arg11 : memref<!tpu.dma_semaphore, #tpu.memory_space<semaphore_mem>>) src(%dma_wait3A_302 : memref<12500x128xf32, #tpu.memory_space<hbm>>) dst(%dma_wait3A_297 : memref<128x128xf32, #tpu.memory_space<vmem>>)
    %scan3A_303 = arith.constant 0 : i32
    %scan3A_304 = arith.constant 24 : i32
    %scan3A_305 = arith.constant 8 : i32
    %scan3A_306 = arith.addi %scan3A_304, %scan3A_305 : i32
    %scan3A_307 = arith.constant 1 : i32
    scf.for %scan3A_309 = %scan3A_304 to %scan3A_306 step %scan3A_307  : i32 {
      %mul3A_310 = arith.constant 16 : i32
      %mul3A_311 = arith.muli %scan3A_309, %mul3A_310 : i32
      %add3A_312 = vector.broadcast %mul3A_311 : i32 to vector<16xi32>
      %add3A_313 = arith.addi %add3A_312, %iota3A : vector<16xi32>
      %mul3A_314 = arith.constant 16 : i32
      %mul3A_315 = arith.muli %scan3A_309, %mul3A_314 : i32
      %get3A_316 = arith.index_cast %mul3A_315 : i32 to index
      %get3A_317 = tpu.vector_load %arg6[%get3A_316] {strides = array<i32>} : memref<512xi32, #tpu.memory_space<vmem>>, vector<16xi32>,
      %and3A = arith.constant 7 : i32
      %and3A_318 = vector.broadcast %and3A : i32 to vector<16xi32>
      %and3A_319 = arith.andi %get3A_317, %and3A_318 : vector<16xi32>
      %mul3A_320 = arith.constant 16 : i32
      %mul3A_321 = vector.broadcast %mul3A_320 : i32 to vector<16xi32>
      %mul3A_322 = arith.muli %and3A_319, %mul3A_321 : vector<16xi32>
      %broadcast_in_dim3A = arith.constant 0.000000e+00 : f32
      %broadcast_in_dim3A_323 = vector.broadcast %broadcast_in_dim3A : f32 to vector<16xf32>
      %mul3A_324 = arith.constant 16 : i32
      %mul3A_325 = arith.muli %scan3A_309, %mul3A_324 : i32
      %get3A_326 = arith.constant 0 : i32
      %get3A_327 = arith.index_cast %get3A_326 : i32 to index
      %get3A_328 = arith.index_cast %mul3A_325 : i32 to index
      %get3A_329 = tpu.vector_load %arg9[%get3A_327, %get3A_328] {strides = array<i32>} : memref<16x512xf32, #tpu.memory_space<vmem>>, vector<16xf32>,
      %add3A_330 = arith.constant 0 : i32
      %add3A_331 = vector.broadcast %add3A_330 : i32 to vector<16xi32>
      %add3A_332 = arith.addi %mul3A_322, %add3A_331 : vector<16xi32>
      %gather3A = tpu.vector_load_idx %arg8[%add3A_313, %add3A_332] : memref<512x128xf32, #tpu.memory_space<vmem>>[vector<16xi32>, vector<16xi32>], vector<16xf32>,
      %mul3A_333 = arith.mulf %get3A_329, %gather3A : vector<16xf32>
      %add3A_334 = arith.addf %broadcast_in_dim3A_323, %mul3A_333 : vector<16xf32>
      %mul3A_335 = arith.constant 16 : i32
      %mul3A_336 = arith.muli %scan3A_309, %mul3A_335 : i32
      %get3A_337 = arith.constant 1 : i32
      %get3A_338 = arith.index_cast %get3A_337 : i32 to index
      %get3A_339 = arith.index_cast %mul3A_336 : i32 to index
      %get3A_340 = tpu.vector_load %arg9[%get3A_338, %get3A_339] {strides = array<i32>} : memref<16x512xf32, #tpu.memory_space<vmem>>, vector<16xf32>,
      %add3A_341 = arith.constant 1 : i32
      %add3A_342 = vector.broadcast %add3A_341 : i32 to vector<16xi32>
      %add3A_343 = arith.addi %mul3A_322, %add3A_342 : vector<16xi32>
      %gather3A_344 = tpu.vector_load_idx %arg8[%add3A_313, %add3A_343] : memref<512x128xf32, #tpu.memory_space<vmem>>[vector<16xi32>, vector<16xi32>], vector<16xf32>,
      %mul3A_345 = arith.mulf %get3A_340, %gather3A_344 : vector<16xf32>
      %add3A_346 = arith.addf %add3A_334, %mul3A_345 : vector<16xf32>
      %mul3A_347 = arith.constant 16 : i32
      %mul3A_348 = arith.muli %scan3A_309, %mul3A_347 : i32
      %get3A_349 = arith.constant 2 : i32
      %get3A_350 = arith.index_cast %get3A_349 : i32 to index
      %get3A_351 = arith.index_cast %mul3A_348 : i32 to index
      %get3A_352 = tpu.vector_load %arg9[%get3A_350, %get3A_351] {strides = array<i32>} : memref<16x512xf32, #tpu.memory_space<vmem>>, vector<16xf32>,
      %add3A_353 = arith.constant 2 : i32
      %add3A_354 = vector.broadcast %add3A_353 : i32 to vector<16xi32>
      %add3A_355 = arith.addi %mul3A_322, %add3A_354 : vector<16xi32>
      %gather3A_356 = tpu.vector_load_idx %arg8[%add3A_313, %add3A_355] : memref<512x128xf32, #tpu.memory_space<vmem>>[vector<16xi32>, vector<16xi32>], vector<16xf32>,
      %mul3A_357 = arith.mulf %get3A_352, %gather3A_356 : vector<16xf32>
      %add3A_358 = arith.addf %add3A_346, %mul3A_357 : vector<16xf32>
      %mul3A_359 = arith.constant 16 : i32
      %mul3A_360 = arith.muli %scan3A_309, %mul3A_359 : i32
      %get3A_361 = arith.constant 3 : i32
      %get3A_362 = arith.index_cast %get3A_361 : i32 to index
      %get3A_363 = arith.index_cast %mul3A_360 : i32 to index
      %get3A_364 = tpu.vector_load %arg9[%get3A_362, %get3A_363] {strides = array<i32>} : memref<16x512xf32, #tpu.memory_space<vmem>>, vector<16xf32>,
      %add3A_365 = arith.constant 3 : i32
      %add3A_366 = vector.broadcast %add3A_365 : i32 to vector<16xi32>
      %add3A_367 = arith.addi %mul3A_322, %add3A_366 : vector<16xi32>
      %gather3A_368 = tpu.vector_load_idx %arg8[%add3A_313, %add3A_367] : memref<512x128xf32, #tpu.memory_space<vmem>>[vector<16xi32>, vector<16xi32>], vector<16xf32>,
      %mul3A_369 = arith.mulf %get3A_364, %gather3A_368 : vector<16xf32>
      %add3A_370 = arith.addf %add3A_358, %mul3A_369 : vector<16xf32>
      %mul3A_371 = arith.constant 16 : i32
      %mul3A_372 = arith.muli %scan3A_309, %mul3A_371 : i32
      %get3A_373 = arith.constant 4 : i32
      %get3A_374 = arith.index_cast %get3A_373 : i32 to index
      %get3A_375 = arith.index_cast %mul3A_372 : i32 to index
      %get3A_376 = tpu.vector_load %arg9[%get3A_374, %get3A_375] {strides = array<i32>} : memref<16x512xf32, #tpu.memory_space<vmem>>, vector<16xf32>,
      %add3A_377 = arith.constant 4 : i32
      %add3A_378 = vector.broadcast %add3A_377 : i32 to vector<16xi32>
      %add3A_379 = arith.addi %mul3A_322, %add3A_378 : vector<16xi32>
      %gather3A_380 = tpu.vector_load_idx %arg8[%add3A_313, %add3A_379] : memref<512x128xf32, #tpu.memory_space<vmem>>[vector<16xi32>, vector<16xi32>], vector<16xf32>,
      %mul3A_381 = arith.mulf %get3A_376, %gather3A_380 : vector<16xf32>
      %add3A_382 = arith.addf %add3A_370, %mul3A_381 : vector<16xf32>
      %mul3A_383 = arith.constant 16 : i32
      %mul3A_384 = arith.muli %scan3A_309, %mul3A_383 : i32
      %get3A_385 = arith.constant 5 : i32
      %get3A_386 = arith.index_cast %get3A_385 : i32 to index
      %get3A_387 = arith.index_cast %mul3A_384 : i32 to index
      %get3A_388 = tpu.vector_load %arg9[%get3A_386, %get3A_387] {strides = array<i32>} : memref<16x512xf32, #tpu.memory_space<vmem>>, vector<16xf32>,
      %add3A_389 = arith.constant 5 : i32
      %add3A_390 = vector.broadcast %add3A_389 : i32 to vector<16xi32>
      %add3A_391 = arith.addi %mul3A_322, %add3A_390 : vector<16xi32>
      %gather3A_392 = tpu.vector_load_idx %arg8[%add3A_313, %add3A_391] : memref<512x128xf32, #tpu.memory_space<vmem>>[vector<16xi32>, vector<16xi32>], vector<16xf32>,
      %mul3A_393 = arith.mulf %get3A_388, %gather3A_392 : vector<16xf32>
      %add3A_394 = arith.addf %add3A_382, %mul3A_393 : vector<16xf32>
      %mul3A_395 = arith.constant 16 : i32
      %mul3A_396 = arith.muli %scan3A_309, %mul3A_395 : i32
      %get3A_397 = arith.constant 6 : i32
      %get3A_398 = arith.index_cast %get3A_397 : i32 to index
      %get3A_399 = arith.index_cast %mul3A_396 : i32 to index
      %get3A_400 = tpu.vector_load %arg9[%get3A_398, %get3A_399] {strides = array<i32>} : memref<16x512xf32, #tpu.memory_space<vmem>>, vector<16xf32>,
      %add3A_401 = arith.constant 6 : i32
      %add3A_402 = vector.broadcast %add3A_401 : i32 to vector<16xi32>
      %add3A_403 = arith.addi %mul3A_322, %add3A_402 : vector<16xi32>
      %gather3A_404 = tpu.vector_load_idx %arg8[%add3A_313, %add3A_403] : memref<512x128xf32, #tpu.memory_space<vmem>>[vector<16xi32>, vector<16xi32>], vector<16xf32>,
      %mul3A_405 = arith.mulf %get3A_400, %gather3A_404 : vector<16xf32>
      %add3A_406 = arith.addf %add3A_394, %mul3A_405 : vector<16xf32>
      %mul3A_407 = arith.constant 16 : i32
      %mul3A_408 = arith.muli %scan3A_309, %mul3A_407 : i32
      %get3A_409 = arith.constant 7 : i32
      %get3A_410 = arith.index_cast %get3A_409 : i32 to index
      %get3A_411 = arith.index_cast %mul3A_408 : i32 to index
      %get3A_412 = tpu.vector_load %arg9[%get3A_410, %get3A_411] {strides = array<i32>} : memref<16x512xf32, #tpu.memory_space<vmem>>, vector<16xf32>,
      %add3A_413 = arith.constant 7 : i32
      %add3A_414 = vector.broadcast %add3A_413 : i32 to vector<16xi32>
      %add3A_415 = arith.addi %mul3A_322, %add3A_414 : vector<16xi32>
      %gather3A_416 = tpu.vector_load_idx %arg8[%add3A_313, %add3A_415] : memref<512x128xf32, #tpu.memory_space<vmem>>[vector<16xi32>, vector<16xi32>], vector<16xf32>,
      %mul3A_417 = arith.mulf %get3A_412, %gather3A_416 : vector<16xf32>
      %add3A_418 = arith.addf %add3A_406, %mul3A_417 : vector<16xf32>
      %mul3A_419 = arith.constant 16 : i32
      %mul3A_420 = arith.muli %scan3A_309, %mul3A_419 : i32
      %get3A_421 = arith.constant 8 : i32
      %get3A_422 = arith.index_cast %get3A_421 : i32 to index
      %get3A_423 = arith.index_cast %mul3A_420 : i32 to index
      %get3A_424 = tpu.vector_load %arg9[%get3A_422, %get3A_423] {strides = array<i32>} : memref<16x512xf32, #tpu.memory_space<vmem>>, vector<16xf32>,
      %add3A_425 = arith.constant 8 : i32
      %add3A_426 = vector.broadcast %add3A_425 : i32 to vector<16xi32>
      %add3A_427 = arith.addi %mul3A_322, %add3A_426 : vector<16xi32>
      %gather3A_428 = tpu.vector_load_idx %arg8[%add3A_313, %add3A_427] : memref<512x128xf32, #tpu.memory_space<vmem>>[vector<16xi32>, vector<16xi32>], vector<16xf32>,
      %mul3A_429 = arith.mulf %get3A_424, %gather3A_428 : vector<16xf32>
      %add3A_430 = arith.addf %add3A_418, %mul3A_429 : vector<16xf32>
      %mul3A_431 = arith.constant 16 : i32
      %mul3A_432 = arith.muli %scan3A_309, %mul3A_431 : i32
      %get3A_433 = arith.constant 9 : i32
      %get3A_434 = arith.index_cast %get3A_433 : i32 to index
      %get3A_435 = arith.index_cast %mul3A_432 : i32 to index
      %get3A_436 = tpu.vector_load %arg9[%get3A_434, %get3A_435] {strides = array<i32>} : memref<16x512xf32, #tpu.memory_space<vmem>>, vector<16xf32>,
      %add3A_437 = arith.constant 9 : i32
      %add3A_438 = vector.broadcast %add3A_437 : i32 to vector<16xi32>
      %add3A_439 = arith.addi %mul3A_322, %add3A_438 : vector<16xi32>
      %gather3A_440 = tpu.vector_load_idx %arg8[%add3A_313, %add3A_439] : memref<512x128xf32, #tpu.memory_space<vmem>>[vector<16xi32>, vector<16xi32>], vector<16xf32>,
      %mul3A_441 = arith.mulf %get3A_436, %gather3A_440 : vector<16xf32>
      %add3A_442 = arith.addf %add3A_430, %mul3A_441 : vector<16xf32>
      %mul3A_443 = arith.constant 16 : i32
      %mul3A_444 = arith.muli %scan3A_309, %mul3A_443 : i32
      %get3A_445 = arith.constant 10 : i32
      %get3A_446 = arith.index_cast %get3A_445 : i32 to index
      %get3A_447 = arith.index_cast %mul3A_444 : i32 to index
      %get3A_448 = tpu.vector_load %arg9[%get3A_446, %get3A_447] {strides = array<i32>} : memref<16x512xf32, #tpu.memory_space<vmem>>, vector<16xf32>,
      %add3A_449 = arith.constant 10 : i32
      %add3A_450 = vector.broadcast %add3A_449 : i32 to vector<16xi32>
      %add3A_451 = arith.addi %mul3A_322, %add3A_450 : vector<16xi32>
      %gather3A_452 = tpu.vector_load_idx %arg8[%add3A_313, %add3A_451] : memref<512x128xf32, #tpu.memory_space<vmem>>[vector<16xi32>, vector<16xi32>], vector<16xf32>,
      %mul3A_453 = arith.mulf %get3A_448, %gather3A_452 : vector<16xf32>
      %add3A_454 = arith.addf %add3A_442, %mul3A_453 : vector<16xf32>
      %mul3A_455 = arith.constant 16 : i32
      %mul3A_456 = arith.muli %scan3A_309, %mul3A_455 : i32
      %get3A_457 = arith.constant 11 : i32
      %get3A_458 = arith.index_cast %get3A_457 : i32 to index
      %get3A_459 = arith.index_cast %mul3A_456 : i32 to index
      %get3A_460 = tpu.vector_load %arg9[%get3A_458, %get3A_459] {strides = array<i32>} : memref<16x512xf32, #tpu.memory_space<vmem>>, vector<16xf32>,
      %add3A_461 = arith.constant 11 : i32
      %add3A_462 = vector.broadcast %add3A_461 : i32 to vector<16xi32>
      %add3A_463 = arith.addi %mul3A_322, %add3A_462 : vector<16xi32>
      %gather3A_464 = tpu.vector_load_idx %arg8[%add3A_313, %add3A_463] : memref<512x128xf32, #tpu.memory_space<vmem>>[vector<16xi32>, vector<16xi32>], vector<16xf32>,
      %mul3A_465 = arith.mulf %get3A_460, %gather3A_464 : vector<16xf32>
      %add3A_466 = arith.addf %add3A_454, %mul3A_465 : vector<16xf32>
      %mul3A_467 = arith.constant 16 : i32
      %mul3A_468 = arith.muli %scan3A_309, %mul3A_467 : i32
      %get3A_469 = arith.constant 12 : i32
      %get3A_470 = arith.index_cast %get3A_469 : i32 to index
      %get3A_471 = arith.index_cast %mul3A_468 : i32 to index
      %get3A_472 = tpu.vector_load %arg9[%get3A_470, %get3A_471] {strides = array<i32>} : memref<16x512xf32, #tpu.memory_space<vmem>>, vector<16xf32>,
      %add3A_473 = arith.constant 12 : i32
      %add3A_474 = vector.broadcast %add3A_473 : i32 to vector<16xi32>
      %add3A_475 = arith.addi %mul3A_322, %add3A_474 : vector<16xi32>
      %gather3A_476 = tpu.vector_load_idx %arg8[%add3A_313, %add3A_475] : memref<512x128xf32, #tpu.memory_space<vmem>>[vector<16xi32>, vector<16xi32>], vector<16xf32>,
      %mul3A_477 = arith.mulf %get3A_472, %gather3A_476 : vector<16xf32>
      %add3A_478 = arith.addf %add3A_466, %mul3A_477 : vector<16xf32>
      %mul3A_479 = arith.constant 16 : i32
      %mul3A_480 = arith.muli %scan3A_309, %mul3A_479 : i32
      %get3A_481 = arith.constant 13 : i32
      %get3A_482 = arith.index_cast %get3A_481 : i32 to index
      %get3A_483 = arith.index_cast %mul3A_480 : i32 to index
      %get3A_484 = tpu.vector_load %arg9[%get3A_482, %get3A_483] {strides = array<i32>} : memref<16x512xf32, #tpu.memory_space<vmem>>, vector<16xf32>,
      %add3A_485 = arith.constant 13 : i32
      %add3A_486 = vector.broadcast %add3A_485 : i32 to vector<16xi32>
      %add3A_487 = arith.addi %mul3A_322, %add3A_486 : vector<16xi32>
      %gather3A_488 = tpu.vector_load_idx %arg8[%add3A_313, %add3A_487] : memref<512x128xf32, #tpu.memory_space<vmem>>[vector<16xi32>, vector<16xi32>], vector<16xf32>,
      %mul3A_489 = arith.mulf %get3A_484, %gather3A_488 : vector<16xf32>
      %add3A_490 = arith.addf %add3A_478, %mul3A_489 : vector<16xf32>
      %mul3A_491 = arith.constant 16 : i32
      %mul3A_492 = arith.muli %scan3A_309, %mul3A_491 : i32
      %get3A_493 = arith.constant 14 : i32
      %get3A_494 = arith.index_cast %get3A_493 : i32 to index
      %get3A_495 = arith.index_cast %mul3A_492 : i32 to index
      %get3A_496 = tpu.vector_load %arg9[%get3A_494, %get3A_495] {strides = array<i32>} : memref<16x512xf32, #tpu.memory_space<vmem>>, vector<16xf32>,
      %add3A_497 = arith.constant 14 : i32
      %add3A_498 = vector.broadcast %add3A_497 : i32 to vector<16xi32>
      %add3A_499 = arith.addi %mul3A_322, %add3A_498 : vector<16xi32>
      %gather3A_500 = tpu.vector_load_idx %arg8[%add3A_313, %add3A_499] : memref<512x128xf32, #tpu.memory_space<vmem>>[vector<16xi32>, vector<16xi32>], vector<16xf32>,
      %mul3A_501 = arith.mulf %get3A_496, %gather3A_500 : vector<16xf32>
      %add3A_502 = arith.addf %add3A_490, %mul3A_501 : vector<16xf32>
      %mul3A_503 = arith.constant 16 : i32
      %mul3A_504 = arith.muli %scan3A_309, %mul3A_503 : i32
      %get3A_505 = arith.constant 15 : i32
      %get3A_506 = arith.index_cast %get3A_505 : i32 to index
      %get3A_507 = arith.index_cast %mul3A_504 : i32 to index
      %get3A_508 = tpu.vector_load %arg9[%get3A_506, %get3A_507] {strides = array<i32>} : memref<16x512xf32, #tpu.memory_space<vmem>>, vector<16xf32>,
      %add3A_509 = arith.constant 15 : i32
      %add3A_510 = vector.broadcast %add3A_509 : i32 to vector<16xi32>
      %add3A_511 = arith.addi %mul3A_322, %add3A_510 : vector<16xi32>
      %gather3A_512 = tpu.vector_load_idx %arg8[%add3A_313, %add3A_511] : memref<512x128xf32, #tpu.memory_space<vmem>>[vector<16xi32>, vector<16xi32>], vector<16xf32>,
      %mul3A_513 = arith.mulf %get3A_508, %gather3A_512 : vector<16xf32>
      %add3A_514 = arith.addf %add3A_502, %mul3A_513 : vector<16xf32>
      %neg3A = arith.constant 0.000000e+00 : f32
      %neg3A_515 = vector.broadcast %neg3A : f32 to vector<16xf32>
      %neg3A_516 = arith.subf %neg3A_515, %add3A_514 : vector<16xf32>
      %exp3A = math.exp %neg3A_516 : vector<16xf32>
      %add3A_517 = arith.constant 1.000000e+00 : f32
      %add3A_518 = vector.broadcast %add3A_517 : f32 to vector<16xf32>
      %add3A_519 = arith.addf %add3A_518, %exp3A : vector<16xf32>
      %div3A = arith.constant 1.000000e+00 : f32
      %div3A_520 = vector.broadcast %div3A : f32 to vector<16xf32>
      %div3A_521 = arith.divf %div3A_520, %add3A_519 : vector<16xf32>
      %mul3A_522 = arith.constant 16 : i32
      %mul3A_523 = arith.muli %scan3A_309, %mul3A_522 : i32
      %swap3A_524 = arith.index_cast %mul3A_523 : i32 to index
      %swap3A_525 = tpu.vector_load %arg10[%swap3A_524] {strides = array<i32>} : memref<512xf32, #tpu.memory_space<vmem>>, vector<16xf32>,
      tpu.vector_store %arg10[%swap3A_524], %div3A_521 {strides = array<i32>} : memref<512xf32, #tpu.memory_space<vmem>>, vector<16xf32>,
    }
    %scan3A_308 = arith.constant 8 : i32
    "tpu.region"() ({
      %run_scoped3A = tpu.sem_alloc : memref<!tpu.dma_semaphore, #tpu.memory_space<semaphore_mem>>
      %dma_start3A_309 = tpu.memref_slice %arg5[%mul3A_2] : memref<16384xf32, #tpu.memory_space<hbm>> -> memref<512xf32, #tpu.memory_space<hbm>>
      %dma_start3A_310 = tpu.memref_slice %arg5[%mul3A_2] : memref<16384xf32, #tpu.memory_space<hbm>> -> memref<512xf32, #tpu.memory_space<hbm>>
      tpu.enqueue_dma source(%arg10 : memref<512xf32, #tpu.memory_space<vmem>>) target(%dma_start3A_310 : memref<512xf32, #tpu.memory_space<hbm>>) target_semaphore(%run_scoped3A : memref<!tpu.dma_semaphore, #tpu.memory_space<semaphore_mem>>)
      %dma_wait3A_311 = tpu.memref_slice %arg5[%mul3A_2] : memref<16384xf32, #tpu.memory_space<hbm>> -> memref<512xf32, #tpu.memory_space<hbm>>
      %dma_wait3A_312 = tpu.memref_slice %arg5[%mul3A_2] : memref<16384xf32, #tpu.memory_space<hbm>> -> memref<512xf32, #tpu.memory_space<hbm>>
      tpu.wait_dma2 semaphore(%run_scoped3A : memref<!tpu.dma_semaphore, #tpu.memory_space<semaphore_mem>>) src(%arg10 : memref<512xf32, #tpu.memory_space<vmem>>) dst(%dma_wait3A_312 : memref<512xf32, #tpu.memory_space<hbm>>)
      tpu.yield
    }) : () -> ()
    return
  }
}

</mosaic_0001>

<sc_bundles>
// kernel: kernel.3.cloned.1.call-start
scs
__scs_entry_jumppad:
0x0: {  	(pc) =	sbr.rel $0x88, $3  }
0x1: {  	(tag) =	ssettag $0x0;
	lr =	simm.s32 $0x1  }
0x2: {  	[smem:$0x3F9E] =	sst lr;
	_ =	strace $0xD0000000  }
0x3: {  	_ = 	snop  }
0x4: {  	_ = 	snop  }
0x5: {  	_ = 	snop  }
0x6: {  	_ = 	snop  }
0x7: {  	_ = 	snop  }
__scs_overlays_trampoline_lowered:
0x8: {  	[smem:$0x3FAD] =	sst s0  }
0x9: {  	[smem:$0x3FAE] =	sst s1  }
0xa: {  	[smem:$0x3FAF] =	sst s2  }
0xb: {  	[smem:$0x3FB0] =	sst s3  }
0xc: {  	[smem:$0x3FB1] =	sst s4  }
0xd: {  	[smem:$0x3FB2] =	sst s5  }
0xe: {  	[smem:$0x3FB3] =	sst s6  }
0xf: {  	[smem:$0x3FB4] =	sst s7  }
0x10: {  	[smem:$0x3FB5] =	sst s8  }
0x11: {  	[smem:$0x3FB6] =	sst s9;
	s0 =	simm.s32 @!p0 $0x0  }
0x12: {  	s1 =	sld [smem:$0x3F9C];
	s0 =	simm.s32 @p0 $0x1  }
0x13: {  	[smem:$0x3FB7] =	sst s0;
	s0 =	simm.s32 @!p1 $0x0  }
0x14: {  	s2 =	sld [smem:$0x3F9B];
	s0 =	simm.s32 @p1 $0x1  }
0x15: {  	[smem:$0x3FB8] =	sst s0;
	s0 =	simm.s32 @!p2 $0x0  }
0x16: {  	s3 =	sld [smem:$0x3FDB];
	s0 =	simm.s32 @p2 $0x1  }
0x17: {  	s4 =	simm.s32 $0x1BF5;
	[smem:$0x3FBA] =	sst s0  }
0x18: {  	s0 =	sld [smem:$0x3F9D];
	_ =	swait.ge [sflag:s4], $0x0  }
0x19: {  	s7 =	sld [smem:$0x3F9E]  }
0x1a: {  	s8 =	sadd.s32 $0xFFFFE003, lr  }
0x1b: {  	s9 =	sadd.s32 $0xFFFFFEF7, lr;
	s5 =	simm.s32 $0xFFFFFFFF;
	p2 =	slt.u32 s8, $0xFFFFF086  }
0x1c: {  	p1 =	slt.u32 s9, $0xF7A;
	s5 =	simm.s32 @!p2 $0x0  }
0x1d: {  	s5 =	simm.s32 @p1 $0x1;
	p0 =	seq.s32 s7, s2  }
0x1e: {  	s7 =	smul.u32 @!p0 $0xF7A, s2;
	p2 =	seq.s32 @!p0 s5, $0x0  }
0x1f: {  	s9 =	smul.u32 $0xF7A, s1;
	s8 =	simm.s32 @!p0 $0x1BF5;
	p2 =	por !p2, p0  }
0x20: {  	[sflag:s8] =	ssyncset.s32 @!p0 $0xFFFFF086;
	s6 =	sadd.s32 @!p0 s3, s7;
	s7 =	simm.s32 @!p0 $0x108  }
0x21: {  	s3 =	sadd.s32 s3, s9;
	s6 =	sadd.s32 @!p0 $0x88, s6;
	s7 =	simm.s32 @p2 $0x1082  }
0x22: {  	[simem:s7], [sflag:s8] =	dma.local @!p0 [hbm:s6], $0xF7A  }
0x23: {  	s9 =	sor.u32 $0xD0000000, s2;
	s6 =	simm.s32 $0x108;
	_ =	swait.ge @!p0 [sflag:s8], $0x0  }
0x24: {  	s3 =	sadd.s32 $0x88, s3;
	s6 =	simm.s32 @!p1 $0x1082;
	[sflag:s4] =	ssyncset.s32 $0xFFFFF086  }
0x25: {  	[simem:s6], [sflag:s4] =	dma.local [hbm:s3], $0xF7A  }
0x26: {  	[smem:$0x3F9E] =	sst s1;
	(tag) =	ssettag s2;
	_ =	strace s9  }
0x27: {  	s1 =	sld [smem:$0x3FAE]  }
0x28: {  	s2 =	sld [smem:$0x3FAF]  }
0x29: {  	s4 =	sld [smem:$0x3FB1]  }
0x2a: {  	p0 =	seq.s32 s5, $0x0;
	s5 =	sld [smem:$0x3FB2]  }
0x2b: {  	s6 =	sld [smem:$0x3FB3]  }
0x2c: {  	s7 =	sld [smem:$0x3FB4]  }
0x2d: {  	s3 =	simm.s32 $0x108;
	s8 =	sld [smem:$0x3FB5]  }
0x2e: {  	s3 =	simm.s32 @!p0 $0x1082;
	s9 =	sld [smem:$0x3FB6]  }
0x2f: {  	lr =	sadd.s32 s0, s3;
	s0 =	sld [smem:$0x3FAD]  }
0x30: {  	s3 =	sld [smem:$0x3FB0]  }
0x31: {  	[smem:$0x3FB9] =	sst s10  }
0x32: {  	s10 =	sld [smem:$0x3FB7];
	_ =	sdelay $0x3  }
0x33: {  	p0 =	seq.s32 s10, $0x1;
	s10 =	sld [smem:$0x3FB9];
	_ =	sdelay $0x3  }
0x34: {  	[smem:$0x3FB9] =	sst s10  }
0x35: {  	s10 =	sld [smem:$0x3FB8];
	_ =	sdelay $0x3  }
0x36: {  	p1 =	seq.s32 s10, $0x1;
	s10 =	sld [smem:$0x3FB9];
	_ =	sdelay $0x3  }
0x37: {  	[smem:$0x3FB9] =	sst s10  }
0x38: {  	s10 =	sld [smem:$0x3FBA]  }
0x39: {  	_ = 	snop;
	(pc) =	sbr.ind lr, $3  }
0x3a: {  	_ = 	snop  }
0x3b: {  	_ = 	snop  }
0x3c: {  	p2 =	seq.s32 s10, $0x1;
	s10 =	sld [smem:$0x3FB9]  }
0x3d: {  	_ =	shalt  }
0x3e: {  	_ =	shalt  }
0x3f: {  	_ =	shalt  }
0x40: {  	_ =	shalt  }
0x41: {  	_ =	shalt  }
0x42: {  	_ =	shalt  }
0x43: {  	_ =	shalt  }
0x44: {  	_ =	shalt  }
0x45: {  	_ =	shalt  }
0x46: {  	_ =	shalt  }
0x47: {  	_ =	shalt  }
0x48: {  	_ =	shalt  }
0x49: {  	_ =	shalt  }
0x4a: {  	_ =	shalt  }
0x4b: {  	_ =	shalt  }
0x4c: {  	_ =	shalt  }
0x4d: {  	_ =	shalt  }
0x4e: {  	_ =	shalt  }
0x4f: {  	_ =	shalt  }
0x50: {  	_ =	shalt  }
0x51: {  	_ =	shalt  }
0x52: {  	_ =	shalt  }
0x53: {  	_ =	shalt  }
0x54: {  	_ =	shalt  }
0x55: {  	_ =	shalt  }
0x56: {  	_ =	shalt  }
0x57: {  	_ =	shalt  }
0x58: {  	_ =	shalt  }
0x59: {  	_ =	shalt  }
0x5a: {  	_ =	shalt  }
0x5b: {  	_ =	shalt  }
0x5c: {  	_ =	shalt  }
0x5d: {  	_ =	shalt  }
0x5e: {  	_ =	shalt  }
0x5f: {  	_ =	shalt  }
0x60: {  	_ =	shalt  }
0x61: {  	_ =	shalt  }
0x62: {  	_ =	shalt  }
0x63: {  	_ =	shalt  }
0x64: {  	_ =	shalt  }
0x65: {  	_ =	shalt  }
0x66: {  	_ =	shalt  }
0x67: {  	_ =	shalt  }
0x68: {  	_ =	shalt  }
0x69: {  	_ =	shalt  }
0x6a: {  	_ =	shalt  }
0x6b: {  	_ =	shalt  }
0x6c: {  	_ =	shalt  }
0x6d: {  	_ =	shalt  }
0x6e: {  	_ =	shalt  }
0x6f: {  	_ =	shalt  }
0x70: {  	_ =	shalt  }
0x71: {  	_ =	shalt  }
0x72: {  	_ =	shalt  }
0x73: {  	_ =	shalt  }
0x74: {  	_ =	shalt  }
0x75: {  	_ =	shalt  }
0x76: {  	_ =	shalt  }
0x77: {  	_ =	shalt  }
0x78: {  	_ =	shalt  }
0x79: {  	_ =	shalt  }
0x7a: {  	_ =	shalt  }
0x7b: {  	_ =	shalt  }
0x7c: {  	_ =	shalt  }
0x7d: {  	_ =	shalt  }
0x7e: {  	_ =	shalt  }
0x7f: {  	_ =	shalt  }
0x80: {  	_ =	shalt  }
0x81: {  	_ =	shalt  }
0x82: {  	_ =	shalt  }
0x83: {  	_ =	shalt  }
0x84: {  	_ =	shalt  }
0x85: {  	_ =	shalt  }
0x86: {  	_ =	shalt  }
0x87: {  	_ =	shalt  }
.Lfunc_end0:
.L_simem_size_0:
called_computation_lowered:
.L_overlay_start_0:
0x88: {  	s2 =	sld [smem:$0x3FD9]  }
0x89: {  	s3 =	sld [smem:$0x3FFE];
	_ =	sdelay $0x1  }
0x8a: {  	s1 =	srdreg.scid  }
0x8b: {  	s0 =	sand.u32 $0x1, s1  }
0x8c: {  	s17 =	sshll.u32 s0, $0xA;
	s2 =	sadd.s32 s3, s2  }
0x8d: {  	s2 =	sadd.s32 s2, s17  }
0x8e: {  	[smem:$0x3FC5] =	sst s2  }
0x8f: {  	_ = 	snop  }
0x90: {  	s2 =	sld [smem:$0x3FC9]  }
0x91: {  	s18 =	sld [smem:$0x3FC8]  }
0x92: {  	s4 =	sld [smem:$0x3FD0];
	(tm) =	ssettm $0x1  }
0x93: {  	s5 =	sld [smem:$0x3FFB];
	_ =	sdelay $0x3  }
0x94: {  	_ =	strace s5  }
0x95: {  	s5 =	sld [smem:$0x3FFC];
	_ =	sdelay $0x3  }
0x96: {  	_ =	strace s5  }
0x97: {  	s5 =	sld [smem:$0x3FFD];
	_ =	sdelay $0x3  }
0x98: {  	_ =	strace s5  }
0x99: {  	_ =	strace $0x8FFFFFFF  }
0x9a: {  	s19 =	sld [smem:$0x3FDB];
	_ =	sdelay $0x1  }
0x9b: {  	s6 =	simm.s32 $_scs_section_size  }
0x9c: {  	s7 =	simm.s32 $_size__tile_overlayer_lowered;
	s8 =	simm.s32 $_tile_overlayer_lowered  }
0x9d: {  	s22 =	simm.s32 $0x1BFF;
	s21 =	sshll.u32 s8, $0x1;
	s5 =	sadd.s32 s6, s19  }
0x9e: {  	s9 =	simm.s32 $0x0;
	s20 =	sshll.u32 s7, $0x1;
	s7 =	sadd.s32 s21, s5  }
0x9f: {  	[timem:s9], [sflag:s22] =	dma.local [hbm:s7], s20  }
0xa0: {  	_ =	swait.ge [sflag:s22], s20  }
0xa1: {  	s6 =	ssub.s32 $0x0, s20;
	[sflag:s22] =	ssyncset.done $0x0  }
0xa2: {  	[sflag:s22] =	ssyncadd.s32 s6;
	_ =	sdelay $0x1  }
0xa3: {  	s23 =	simm.s32 $0x1B8B  }
0xa4: {  	_ =	swait.ge [sflag:s23], $0x1  }
0xa5: {  	[sflag:s23] =	ssyncset.done $0x0  }
0xa6: {  	s25 =	simm.s32 $0x1B8E;
	s24 =	sld [smem:$0x3FFE];
	[sflag:s23] =	ssyncadd.s32 $0xFFFFFFFF  }
0xa7: {  	s26 =	simm.s32 $execute0_lowered;
	[smem:$0x3FD2] =	sst s25  }
0xa8: {  	s7 =	sshll.u32 s26, $0x1;
	_ =	strace $0x80000046;
	[dreg:$0x1] =	wrdreg $0xFFFFFFFF  }
0xa9: {  	s28 =	simm.s32 $_size_execute0_lowered;
	s5 =	sadd.s32 s5, s7;
	[dreg:$0x0] =	wrdreg $0x0  }
0xaa: {  	s7 =	sshll.u32 s28, $0x1;
	[dreg:$0x2] =	wrdreg s5  }
0xab: {  	[dreg:$0x3] =	wrdreg s7  }
0xac: {  	[dreg:$0x4] =	wrdreg $0xC0  }
0xad: {  	_ =	task [dreg:s9], $0x5FFFF  }
0xae: {  	[dreg:$0x1] =	wrdreg $0xFFFFFFFF  }
0xaf: {  	[dreg:$0x0] =	wrdreg $0x60  }
0xb0: {  	[dreg:$0x2] =	wrdreg s2  }
0xb1: {  	[dreg:$0x3] =	wrdreg s18  }
0xb2: {  	[dreg:$0x4] =	wrdreg s24  }
0xb3: {  	[dreg:$0x5] =	wrdreg s4  }
0xb4: {  	[dreg:$0x6] =	wrdreg $0x9  }
0xb5: {  	_ =	task.clear_ibuf [dreg:s9], $0x7FFFF;
	_ =	strace $0x90000046  }
0xb6: {  	s29 =	simm.s32 $0x9;
	_ =	strace $0x80000048  }
0xb7: {  	_ =	swait.ge [sflag:s29], $0x1  }
0xb8: {  	[sflag:s29] =	ssyncadd.s32 $0xFFFFFFFF  }
0xb9: {  	_ =	strace $0x90000048  }
0xba: {  	_ =	sfence  }
0xbb: {  	s30 =	sld [smem:$0x0];
	_ =	sdelay $0x2  }
0xbc: {  	s31 =	sshll.u32 s1, $0xD;
	s1 =	sshrl.u32 s1, $0x2  }
0xbd: {  	s3 =	sand.u32 $0x4000, s31;
	s1 =	sadd.s32 s1, s30  }
0xbe: {  	s0 =	sor.u32 s3, s0;
	s1 =	sshll.u32 s1, $0x11  }
0xbf: {  	s0 =	sor.u32 s1, s0  }
0xc0: {  	s0 =	sadd.s32 $0x8F2B, s0  }
0xc1: {  	[sflag:s0] =	ssyncadd.remote.s32 $0x1  }
0xc2: {  	_ =	sfence.sel $0xFFFF  }
0xc3: {  	[dreg:$0x0] =	wrdreg $0xFFFFFFFF;
	(pc) =	sbr.abs _section_cstart, $3  }
0xc4: {  	[dreg:$0x1] =	wrdreg $0xFFFFFFFF  }
0xc5: {  	_ =	task.clear_ibuf [dreg:s9], $0x2FFFF;
	_ =	strace $0x9FFFFFFF  }
0xc6: {  	(tm) =	ssettm $0x7FFFFFFF  }
0xc7: {  	_ =	shalt  }
tec
execute0_lowered:
.L_overlay_start_1:
0x0: {  	(tag) =	ssettag $0x1  }
0x1: {  	s5 =	rddreg [dreg:$0x0]  }
0x2: {  	s4 =	rddreg [dreg:$0x1]  }
0x3: {  	s3 =	rddreg [dreg:$0x2]  }
0x4: {  	s6 =	rddreg [dreg:$0x3];
	s7 =	srdreg.scid  }
0x5: {  	s2 =	simm.s32 $0x0;
	s1 =	stileid.u32;
	s11 =	simm.s32 $0x400  }
0x6: {  	s12 =	simm.s32 $0x280;
	s13 =	simm.s32 $0x4400;
	s14 =	simm.s32 $0x300  }
0x7: {  	s15 =	simm.s32 $0x8400;
	s16 =	simm.s32 $0x380;
	s17 =	simm.s32 $0xC400  }
0x8: {  	s18 =	simm.s32 $0x1000;
	s19 =	simm.s32 $0x20000;
	s20 =	simm.s32 $0x10400  }
0x9: {  	s21 =	simm.s32 $0x1;
	s22 =	simm.s32 $0x12400;
	s23 =	simm.s32 $0x0  }
0xa: {  	s7 =	sand.u32 $0x1, s7;
	[smem:$0x7FF] =	sst s2;
	s8 =	sshll.u32 s1, $0xA  }
0xb: {  	s3 =	sadd.s32 $0x186E00, s3;
	s9 =	sshll.u32 s7, $0x9;
	s7 =	ssub.s32 $0x2, s7  }
0xc: {  	_ =	strace $0x80000047;
	s8 =	sor.u32 s9, s8;
	s31 =	sshrl.u32 s7, $0x1  }
0xd: {  	s9 =	simm.s32 $0x80;
	s10 =	sshrl.u32 s8, $0x3;
	s7 =	ssub.s32 s7, s31  }
0xe: {  	v0 =	vlaneseq.u32;
	s5 =	sadd.s32 s5, s8;
	s8 =	simm.s32 $0x2;
	s4 =	sadd.s32 s4, s10  }
0xf: {  	v0 =	vmul.u32 $0x80, v0;
	s6 =	sadd.s32 s6, s10;
	s7 =	smax.u32 s7, $0x1;
	s10 =	simm.s32 $0x200  }
.LBB2_1:
0x10: {  	[tilespmem:s2], [sflag:$0x2] =	stream.linear.gather [hbm4b:s4+s2], $0x200, $0x38;
	[tilespmem:$0x12600] =	vst v63  }
0x11: {  	_ =	swait.ge [sflag:s8], $0x200  }
0x12: {  	[sflag:s8] =	ssyncset.done $0x0  }
0x13: {  	[sflag:s8] =	ssyncadd.s32 $0xFFFFFE00  }
0x14: {  	v1 =	vld [tilespmem:$0x0]  }
0x15: {  	v2 =	vld [tilespmem:$0x10]  }
0x16: {  	v3 =	vld [tilespmem:$0x20]  }
0x17: {  	v4 =	vld [tilespmem:$0x30]  }
0x18: {  	v5 =	vld [tilespmem:$0x40]  }
0x19: {  	v6 =	vld [tilespmem:$0x50];
	v1 =	vshrl.u32 v1, $0x3  }
0x1a: {  	[tilespmem:$0x200] =	vst v1;
	v1 =	vshrl.u32 v2, $0x3;
	v2 =	vld [tilespmem:$0x60]  }
0x1b: {  	[tilespmem:$0x210] =	vst v1;
	v1 =	vshrl.u32 v3, $0x3;
	v3 =	vld [tilespmem:$0x70]  }
0x1c: {  	v14 =	vld [tilespmem:$0x80];
	[tilespmem:$0x220] =	vst v1;
	v1 =	vshrl.u32 v4, $0x3  }
0x1d: {  	v15 =	vld [tilespmem:$0x90];
	[tilespmem:$0x230] =	vst v1;
	v1 =	vshrl.u32 v5, $0x3  }
0x1e: {  	v16 =	vld [tilespmem:$0xA0];
	[tilespmem:$0x240] =	vst v1;
	v1 =	vshrl.u32 v6, $0x3  }
0x1f: {  	[tilespmem:$0x250] =	vst v1;
	v1 =	vshrl.u32 v2, $0x3;
	v2 =	vld [tilespmem:$0xB0]  }
0x20: {  	[tilespmem:$0x260] =	vst v1;
	v1 =	vshrl.u32 v3, $0x3;
	v3 =	vld [tilespmem:$0xC0]  }
0x21: {  	v17 =	vld [tilespmem:$0xD0];
	[tilespmem:$0x270] =	vst v1;
	v1 =	vshrl.u32 v14, $0x3  }
0x22: {  	v18 =	vld [tilespmem:$0xE0];
	[tilespmem:$0x280] =	vst v1;
	v1 =	vshrl.u32 v15, $0x3  }
0x23: {  	v19 =	vld [tilespmem:$0xF0];
	[tilespmem:$0x290] =	vst v1;
	v1 =	vshrl.u32 v16, $0x3  }
0x24: {  	[tilespmem:$0x2A0] =	vst v1;
	v1 =	vshrl.u32 v2, $0x3;
	v2 =	vld [tilespmem:$0x100]  }
0x25: {  	[tilespmem:$0x2B0] =	vst v1;
	v1 =	vshrl.u32 v3, $0x3;
	v3 =	vld [tilespmem:$0x110]  }
0x26: {  	v20 =	vld [tilespmem:$0x120];
	[tilespmem:$0x2C0] =	vst v1;
	v1 =	vshrl.u32 v17, $0x3  }
0x27: {  	v21 =	vld [tilespmem:$0x130];
	[tilespmem:$0x2D0] =	vst v1;
	v1 =	vshrl.u32 v18, $0x3  }
0x28: {  	v22 =	vld [tilespmem:$0x140];
	[tilespmem:$0x2E0] =	vst v1;
	v1 =	vshrl.u32 v19, $0x3  }
0x29: {  	[tilespmem:$0x2F0] =	vst v1;
	v1 =	vshrl.u32 v2, $0x3;
	v2 =	vld [tilespmem:$0x150]  }
0x2a: {  	[tilespmem:$0x300] =	vst v1;
	v1 =	vshrl.u32 v3, $0x3;
	v3 =	vld [tilespmem:$0x160]  }
0x2b: {  	v23 =	vld [tilespmem:$0x170];
	[tilespmem:$0x310] =	vst v1;
	v1 =	vshrl.u32 v20, $0x3  }
0x2c: {  	v24 =	vld [tilespmem:$0x180];
	[tilespmem:$0x320] =	vst v1;
	v1 =	vshrl.u32 v21, $0x3  }
0x2d: {  	v25 =	vld [tilespmem:$0x190];
	[tilespmem:$0x330] =	vst v1;
	v1 =	vshrl.u32 v22, $0x3  }
0x2e: {  	[tilespmem:$0x340] =	vst v1;
	v1 =	vshrl.u32 v2, $0x3;
	v2 =	vld [tilespmem:$0x1A0]  }
0x2f: {  	[tilespmem:$0x350] =	vst v1;
	v1 =	vshrl.u32 v3, $0x3;
	v3 =	vld [tilespmem:$0x1B0]  }
0x30: {  	v26 =	vld [tilespmem:$0x1C0];
	[tilespmem:$0x360] =	vst v1;
	v1 =	vshrl.u32 v23, $0x3  }
0x31: {  	v27 =	vld [tilespmem:$0x1D0];
	[tilespmem:$0x370] =	vst v1;
	v1 =	vshrl.u32 v24, $0x3  }
0x32: {  	v28 =	vld [tilespmem:$0x1E0];
	[tilespmem:$0x380] =	vst v1;
	v1 =	vshrl.u32 v25, $0x3  }
0x33: {  	[tilespmem:$0x390] =	vst v1;
	v1 =	vshrl.u32 v2, $0x3;
	v2 =	vld [tilespmem:$0x1F0]  }
0x34: {  	[tilespmem:$0x3A0] =	vst v1;
	v1 =	vshrl.u32 v3, $0x3  }
0x35: {  	[tilespmem:$0x3B0] =	vst v1;
	v1 =	vshrl.u32 v26, $0x3  }
0x36: {  	[tilespmem:$0x3C0] =	vst v1;
	v1 =	vshrl.u32 v27, $0x3  }
0x37: {  	[tilespmem:$0x3D0] =	vst v1;
	v1 =	vshrl.u32 v28, $0x3  }
0x38: {  	[tilespmem:$0x3E0] =	vst v1;
	v1 =	vshrl.u32 v2, $0x3  }
0x39: {  	[tilespmem:$0x3F0] =	vst v1  }
0x3a: {  	[tilespmem:s11], [sflag:$0x1] =	stream.indirect.gather [hbm4b:s3+s9], $0x80, s10, s9, $0xb8;
	[tilespmem:$0x12600] =	vst v63  }
0x3b: {  	_ = 	snop  }
0x3c: {  	[tilespmem:s13], [sflag:$0x1] =	stream.indirect.gather [hbm4b:s3+s9], $0x80, s12, s9, $0xb8;
	[tilespmem:$0x12600] =	vst v63  }
0x3d: {  	_ = 	snop  }
0x3e: {  	[tilespmem:s15], [sflag:$0x1] =	stream.indirect.gather [hbm4b:s3+s9], $0x80, s14, s9, $0xb8;
	[tilespmem:$0x12600] =	vst v63  }
0x3f: {  	_ = 	snop  }
0x40: {  	[tilespmem:s17], [sflag:$0x1] =	stream.indirect.gather [hbm4b:s3+s9], $0x80, s16, s9, $0xb8;
	[tilespmem:$0x12600] =	vst v63  }
0x41: {  	_ = 	snop  }
0x42: {  	[tilespmem:s20], [sflag:$0x2] =	stream.strided.gather [hbm4b:s5+s18], $0x2000, s19, s18, $0x38;
	[tilespmem:$0x12600] =	vst v63  }
0x43: {  	_ =	swait.ge [sflag:s8], $0x2000  }
0x44: {  	[sflag:s8] =	ssyncset.done $0x0  }
0x45: {  	[sflag:s8] =	ssyncadd.s32 $0xFFFFE000  }
0x46: {  	_ =	swait.ge [sflag:s21], $0x4000  }
0x47: {  	[sflag:s21] =	ssyncset.done $0x0  }
0x48: {  	[sflag:s21] =	ssyncadd.s32 $0xFFFFC000  }
0x49: {  	v1 =	vld [tilespmem:s2+$0x0];
	_ =	sdelay $0x3  }
0x4a: {  	v2 =	vmov s2  }
0x4b: {  	v2 =	vshll.u32 v2, $0x7;
	v1 =	vshll.u32 v1, $0x4  }
0x4c: {  	v2 =	vor.u32 v0, v2;
	v1 =	vand.u32 $0x70, v1  }
0x4d: {  	v1 =	vor.u32 v2, v1;
	_ =	sdelay $0x1  }
0x4e: {  	v2 =	vor.u32 $0x1, v1  }
0x4f: {  	s24 =	simm.s32 $0x11400  }
0x50: {  	v30 =	vld [tilespmem:s24+$0xFFFFF000];
	v3 =	vor.u32 $0x2, v1  }
0x51: {  	v29 =	vld.idx.msk [tilespmem:v1+s11+$0x0], $0xffff  }
0x52: {  	v7 =	vld [tilespmem:s24+$0xFFFFF080];
	v31 =	vor.u32 $0x3, v1  }
0x53: {  	v2 =	vld.idx.msk [tilespmem:v2+s11+$0x0], $0xffff  }
0x54: {  	v9 =	vld [tilespmem:s24+$0xFFFFF100];
	v8 =	vor.u32 $0x4, v1  }
0x55: {  	v3 =	vld.idx.msk [tilespmem:v3+s11+$0x0], $0xffff  }
0x56: {  	v33 =	vld [tilespmem:s24+$0xFFFFF180];
	v10 =	vor.u32 $0x5, v1;
	v4 =	vmul.f32 v29, v30  }
0x57: {  	v32 =	vld.idx.msk [tilespmem:v31+s11+$0x0], $0xffff  }
0x58: {  	v35 =	vld [tilespmem:s24+$0xFFFFF200];
	v11 =	vor.u32 $0x6, v1;
	v2 =	vmul.f32 v2, v7;
	v4 =	vadd.f32 $0.0e+00, v4  }
0x59: {  	v34 =	vld.idx.msk [tilespmem:v8+s11+$0x0], $0xffff  }
0x5a: {  	v37 =	vld [tilespmem:s24+$0xFFFFF280];
	v12 =	vor.u32 $0x7, v1;
	v3 =	vmul.f32 v3, v9;
	v2 =	vadd.f32 v2, v4  }
0x5b: {  	v36 =	vld.idx.msk [tilespmem:v10+s11+$0x0], $0xffff  }
0x5c: {  	v40 =	vld [tilespmem:s24+$0xFFFFF300];
	v38 =	vor.u32 $0x8, v1;
	v2 =	vadd.f32 v3, v2;
	v3 =	vmul.f32 v32, v33  }
0x5d: {  	v39 =	vld.idx.msk [tilespmem:v11+s11+$0x0], $0xffff  }
0x5e: {  	v43 =	vld [tilespmem:s24+$0xFFFFF380];
	v41 =	vor.u32 $0x9, v1;
	v2 =	vadd.f32 v3, v2;
	v3 =	vmul.f32 v34, v35  }
0x5f: {  	v42 =	vld.idx.msk [tilespmem:v12+s11+$0x0], $0xffff  }
0x60: {  	v46 =	vld [tilespmem:s24+$0x0];
	v44 =	vor.u32 $0xA, v1;
	v2 =	vadd.f32 v3, v2;
	v3 =	vmul.f32 v36, v37  }
0x61: {  	v45 =	vld.idx.msk [tilespmem:v38+s11+$0x0], $0xffff  }
0x62: {  	v49 =	vld [tilespmem:s24+$0x80];
	v47 =	vor.u32 $0xB, v1;
	v2 =	vadd.f32 v3, v2;
	v3 =	vmul.f32 v39, v40  }
0x63: {  	v48 =	vld.idx.msk [tilespmem:v41+s11+$0x0], $0xffff  }
0x64: {  	v52 =	vld [tilespmem:s24+$0x100];
	v50 =	vor.u32 $0xC, v1;
	v2 =	vadd.f32 v3, v2;
	v3 =	vmul.f32 v42, v43  }
0x65: {  	v51 =	vld.idx.msk [tilespmem:v44+s11+$0x0], $0xffff  }
0x66: {  	v55 =	vld [tilespmem:s24+$0x180];
	v53 =	vor.u32 $0xD, v1;
	v2 =	vadd.f32 v3, v2;
	v3 =	vmul.f32 v45, v46  }
0x67: {  	v54 =	vld.idx.msk [tilespmem:v47+s11+$0x0], $0xffff  }
0x68: {  	v58 =	vld [tilespmem:s24+$0x200];
	v56 =	vor.u32 $0xE, v1;
	v2 =	vadd.f32 v3, v2;
	v3 =	vmul.f32 v48, v49  }
0x69: {  	v57 =	vld.idx.msk [tilespmem:v50+s11+$0x0], $0xffff  }
0x6a: {  	v60 =	vld [tilespmem:s24+$0x280];
	v1 =	vor.u32 $0xF, v1;
	v2 =	vadd.f32 v3, v2;
	v3 =	vmul.f32 v51, v52  }
0x6b: {  	v59 =	vld.idx.msk [tilespmem:v53+s11+$0x0], $0xffff  }
0x6c: {  	v62 =	vld [tilespmem:s24+$0x300];
	v2 =	vadd.f32 v3, v2;
	v3 =	vmul.f32 v54, v55  }
0x6d: {  	v61 =	vld.idx.msk [tilespmem:v56+s11+$0x0], $0xffff  }
0x6e: {  	v63 =	vld [tilespmem:s24+$0x380];
	v2 =	vadd.f32 v3, v2;
	v3 =	vmul.f32 v57, v58  }
0x6f: {  	v1 =	vld.idx.msk [tilespmem:v1+s11+$0x0], $0xffff  }
0x70: {  	v2 =	vadd.f32 v3, v2;
	v3 =	vmul.f32 v59, v60;
	_ =	sdelay $0x1  }
0x71: {  	v2 =	vadd.f32 v3, v2;
	v3 =	vmul.f32 v61, v62;
	_ =	sdelay $0x1  }
0x72: {  	v1 =	vmul.f32 v1, v63;
	v2 =	vadd.f32 v3, v2;
	_ =	sdelay $0x1  }
0x73: {  	v1 =	vadd.f32 v1, v2;
	_ =	sdelay $0x1  }
0x74: {  	v1 =	vsub.f32 $0.0e+00, v1;
	_ =	sdelay $0x1  }
0x75: {  	v1 =	vmul.f32 $1.442695020e+00, v1;
	_ =	sdelay $0x1  }
0x76: {  	(erf) = vpow2.f32 v1;
	_ =	sdelay $0x8  }
0x77: {  	v1 =	vpop (erf)  }
0x78: {  	v1 =	vadd.f32 $1.000000000e+00, v1;
	_ =	sdelay $0x1  }
0x79: {  	(erf) = vrcp.f32 v1;
	_ =	sdelay $0x8  }
0x7a: {  	v1 =	vpop (erf)  }
0x7b: {  	s26 =	simm.s32 $0x10;
	[tilespmem:s22+$0x0] =	vst v1  }
0x7c: {  	s28 =	simm.s32 $0x20;
	s25 =	simm.s32 $0x12400;
	s29 =	simm.s32 $0x10;
	v1 =	vld [tilespmem:s26+$0x0]  }
.LBB2_2:
0x7d: {  	p0 =	sne.s32 s28, $0x70;
	_ =	sdelay $0x2  }
0x7e: {  	v2 =	vmov s26;
	s26 =	smov.u32 s28  }
0x7f: {  	v2 =	vshll.u32 v2, $0x7;
	v1 =	vshll.u32 v1, $0x4  }
0x80: {  	v2 =	vor.u32 v0, v2;
	v1 =	vand.u32 $0x70, v1  }
0x81: {  	v1 =	vor.u32 v2, v1;
	_ =	sdelay $0x1  }
0x82: {  	v2 =	vor.u32 $0x1, v1;
	_ =	sdelay $0x1  }
0x83: {  	v3 =	vor.u32 $0x2, v1  }
0x84: {  	s24 =	sadd.s32 $0x10, s24;
	v4 =	vld.idx.msk [tilespmem:v1+s11+$0x0], $0xffff  }
0x85: {  	v6 =	vor.u32 $0x3, v1;
	v5 =	vld [tilespmem:s24+$0xFFFFF000]  }
0x86: {  	v2 =	vld.idx.msk [tilespmem:v2+s11+$0x0], $0xffff  }
0x87: {  	v8 =	vor.u32 $0x4, v1;
	v7 =	vld [tilespmem:s24+$0xFFFFF080]  }
0x88: {  	v3 =	vld.idx.msk [tilespmem:v3+s11+$0x0], $0xffff  }
0x89: {  	v10 =	vor.u32 $0x5, v1;
	v9 =	vld [tilespmem:s24+$0xFFFFF100]  }
0x8a: {  	v4 =	vmul.f32 v4, v5;
	v5 =	vld.idx.msk [tilespmem:v6+s11+$0x0], $0xffff  }
0x8b: {  	v11 =	vor.u32 $0x6, v1;
	v6 =	vld [tilespmem:s24+$0xFFFFF180]  }
0x8c: {  	v4 =	vadd.f32 $0.0e+00, v4;
	v2 =	vmul.f32 v2, v7;
	v7 =	vld.idx.msk [tilespmem:v8+s11+$0x0], $0xffff  }
0x8d: {  	v12 =	vor.u32 $0x7, v1;
	v8 =	vld [tilespmem:s24+$0xFFFFF200]  }
0x8e: {  	v2 =	vadd.f32 v2, v4;
	v3 =	vmul.f32 v3, v9;
	v4 =	vld.idx.msk [tilespmem:v10+s11+$0x0], $0xffff  }
0x8f: {  	v10 =	vor.u32 $0x8, v1;
	v9 =	vld [tilespmem:s24+$0xFFFFF280]  }
0x90: {  	v2 =	vadd.f32 v3, v2;
	v3 =	vmul.f32 v5, v6;
	v5 =	vld.idx.msk [tilespmem:v11+s11+$0x0], $0xffff  }
0x91: {  	v11 =	vor.u32 $0x9, v1;
	v6 =	vld [tilespmem:s24+$0xFFFFF300]  }
0x92: {  	v2 =	vadd.f32 v3, v2;
	v3 =	vmul.f32 v7, v8;
	v7 =	vld.idx.msk [tilespmem:v12+s11+$0x0], $0xffff  }
0x93: {  	v12 =	vor.u32 $0xA, v1;
	v8 =	vld [tilespmem:s24+$0xFFFFF380]  }
0x94: {  	v2 =	vadd.f32 v3, v2;
	v3 =	vmul.f32 v4, v9;
	v4 =	vld.idx.msk [tilespmem:v10+s11+$0x0], $0xffff  }
0x95: {  	v10 =	vor.u32 $0xB, v1;
	v9 =	vld [tilespmem:s24+$0x0]  }
0x96: {  	v2 =	vadd.f32 v3, v2;
	v3 =	vmul.f32 v5, v6;
	v5 =	vld.idx.msk [tilespmem:v11+s11+$0x0], $0xffff  }
0x97: {  	v11 =	vor.u32 $0xC, v1;
	v6 =	vld [tilespmem:s24+$0x80]  }
0x98: {  	v2 =	vadd.f32 v3, v2;
	v3 =	vmul.f32 v7, v8;
	v7 =	vld.idx.msk [tilespmem:v12+s11+$0x0], $0xffff  }
0x99: {  	v12 =	vor.u32 $0xD, v1;
	v8 =	vld [tilespmem:s24+$0x100]  }
0x9a: {  	v2 =	vadd.f32 v3, v2;
	v3 =	vmul.f32 v4, v9;
	v4 =	vld.idx.msk [tilespmem:v10+s11+$0x0], $0xffff  }
0x9b: {  	v10 =	vor.u32 $0xE, v1;
	v9 =	vld [tilespmem:s24+$0x180]  }
0x9c: {  	v2 =	vadd.f32 v3, v2;
	v3 =	vmul.f32 v5, v6;
	v5 =	vld.idx.msk [tilespmem:v11+s11+$0x0], $0xffff  }
0x9d: {  	v1 =	vor.u32 $0xF, v1;
	v6 =	vld [tilespmem:s24+$0x200]  }
0x9e: {  	v2 =	vadd.f32 v3, v2;
	v3 =	vmul.f32 v7, v8;
	v7 =	vld.idx.msk [tilespmem:v12+s11+$0x0], $0xffff  }
0x9f: {  	v8 =	vld [tilespmem:s24+$0x280]  }
0xa0: {  	v2 =	vadd.f32 v3, v2;
	v3 =	vmul.f32 v4, v9;
	v4 =	vld.idx.msk [tilespmem:v10+s11+$0x0], $0xffff  }
0xa1: {  	v9 =	vld [tilespmem:s24+$0x300]  }
0xa2: {  	v2 =	vadd.f32 v3, v2;
	v3 =	vmul.f32 v5, v6;
	v1 =	vld.idx.msk [tilespmem:v1+s11+$0x0], $0xffff  }
0xa3: {  	v5 =	vld [tilespmem:s24+$0x380]  }
0xa4: {  	v2 =	vadd.f32 v3, v2;
	v3 =	vmul.f32 v7, v8;
	_ =	sdelay $0x1  }
0xa5: {  	v2 =	vadd.f32 v3, v2;
	v3 =	vmul.f32 v4, v9;
	_ =	sdelay $0x1  }
0xa6: {  	v2 =	vadd.f32 v3, v2;
	v1 =	vmul.f32 v1, v5;
	_ =	sdelay $0x1  }
0xa7: {  	v1 =	vadd.f32 v1, v2;
	_ =	sdelay $0x1  }
0xa8: {  	v1 =	vsub.f32 $0.0e+00, v1;
	_ =	sdelay $0x1  }
0xa9: {  	v1 =	vmul.f32 $1.442695020e+00, v1;
	_ =	sdelay $0x1  }
0xaa: {  	(erf) = vpow2.f32 v1;
	_ =	sdelay $0x8  }
0xab: {  	v1 =	vpop (erf)  }
0xac: {  	v1 =	vadd.f32 $1.000000000e+00, v1;
	_ =	sdelay $0x1  }
0xad: {  	(erf) = vrcp.f32 v1;
	_ =	sdelay $0x6  }
.Ltmp0:
0xae: {  	(pc) =	sbr.rel @p0 .LBB2_2-.Ltmp0, $4  }
0xaf: {  	_ = 	snop  }
0xb0: {  	s25 =	sadd.s32 $0x10, s25;
	v1 =	vpop (erf)  }
0xb1: {  	s29 =	sadd.s32 $0x10, s29;
	[tilespmem:s25+$0x0] =	vst v1  }
0xb2: {  	s28 =	sadd.s32 $0x10, s28;
	v1 =	vld [tilespmem:s29+$0x0]  }
0xb3: {  	_ =	sdelay $0x2  }
0xb4: {  	v2 =	vmov s26  }
0xb5: {  	v2 =	vshll.u32 v2, $0x7;
	v1 =	vshll.u32 v1, $0x4  }
0xb6: {  	v2 =	vor.u32 v0, v2;
	v1 =	vand.u32 $0x70, v1  }
0xb7: {  	v1 =	vor.u32 v2, v1;
	_ =	sdelay $0x1  }
0xb8: {  	v2 =	vor.u32 $0x1, v1  }
0xb9: {  	s24 =	sadd.s32 $0x10, s24  }
0xba: {  	v5 =	vld [tilespmem:s24+$0xFFFFF000];
	v3 =	vor.u32 $0x2, v1  }
0xbb: {  	v4 =	vld.idx.msk [tilespmem:v1+s11+$0x0], $0xffff  }
0xbc: {  	v7 =	vld [tilespmem:s24+$0xFFFFF080];
	v6 =	vor.u32 $0x3, v1  }
0xbd: {  	v2 =	vld.idx.msk [tilespmem:v2+s11+$0x0], $0xffff  }
0xbe: {  	v9 =	vld [tilespmem:s24+$0xFFFFF100];
	v8 =	vor.u32 $0x4, v1  }
0xbf: {  	v3 =	vld.idx.msk [tilespmem:v3+s11+$0x0], $0xffff  }
0xc0: {  	v43 =	vld [tilespmem:s24+$0xFFFFF180];
	v10 =	vor.u32 $0x5, v1;
	v4 =	vmul.f32 v4, v5  }
0xc1: {  	v42 =	vld.idx.msk [tilespmem:v6+s11+$0x0], $0xffff  }
0xc2: {  	v45 =	vld [tilespmem:s24+$0xFFFFF200];
	v11 =	vor.u32 $0x6, v1;
	v2 =	vmul.f32 v2, v7;
	v4 =	vadd.f32 $0.0e+00, v4  }
0xc3: {  	v44 =	vld.idx.msk [tilespmem:v8+s11+$0x0], $0xffff  }
0xc4: {  	v47 =	vld [tilespmem:s24+$0xFFFFF280];
	v12 =	vor.u32 $0x7, v1;
	v3 =	vmul.f32 v3, v9;
	v2 =	vadd.f32 v2, v4  }
0xc5: {  	v46 =	vld.idx.msk [tilespmem:v10+s11+$0x0], $0xffff  }
0xc6: {  	v50 =	vld [tilespmem:s24+$0xFFFFF300];
	v48 =	vor.u32 $0x8, v1;
	v2 =	vadd.f32 v3, v2;
	v3 =	vmul.f32 v42, v43  }
0xc7: {  	v49 =	vld.idx.msk [tilespmem:v11+s11+$0x0], $0xffff  }
0xc8: {  	v53 =	vld [tilespmem:s24+$0xFFFFF380];
	v51 =	vor.u32 $0x9, v1;
	v2 =	vadd.f32 v3, v2;
	v3 =	vmul.f32 v44, v45  }
0xc9: {  	v52 =	vld.idx.msk [tilespmem:v12+s11+$0x0], $0xffff  }
0xca: {  	v56 =	vld [tilespmem:s24+$0x0];
	v54 =	vor.u32 $0xA, v1;
	v2 =	vadd.f32 v3, v2;
	v3 =	vmul.f32 v46, v47  }
0xcb: {  	v55 =	vld.idx.msk [tilespmem:v48+s11+$0x0], $0xffff  }
0xcc: {  	v59 =	vld [tilespmem:s24+$0x80];
	v57 =	vor.u32 $0xB, v1;
	v2 =	vadd.f32 v3, v2;
	v3 =	vmul.f32 v49, v50  }
0xcd: {  	v58 =	vld.idx.msk [tilespmem:v51+s11+$0x0], $0xffff  }
0xce: {  	v62 =	vld [tilespmem:s24+$0x100];
	v60 =	vor.u32 $0xC, v1;
	v2 =	vadd.f32 v3, v2;
	v3 =	vmul.f32 v52, v53  }
0xcf: {  	v61 =	vld.idx.msk [tilespmem:v54+s11+$0x0], $0xffff  }
0xd0: {  	v14 =	vld [tilespmem:s24+$0x180];
	v63 =	vor.u32 $0xD, v1;
	v2 =	vadd.f32 v3, v2;
	v3 =	vmul.f32 v55, v56  }
0xd1: {  	v13 =	vld.idx.msk [tilespmem:v57+s11+$0x0], $0xffff  }
0xd2: {  	v17 =	vld [tilespmem:s24+$0x200];
	v15 =	vor.u32 $0xE, v1;
	v2 =	vadd.f32 v3, v2;
	v3 =	vmul.f32 v58, v59  }
0xd3: {  	v16 =	vld.idx.msk [tilespmem:v60+s11+$0x0], $0xffff  }
0xd4: {  	v19 =	vld [tilespmem:s24+$0x280];
	v1 =	vor.u32 $0xF, v1;
	v2 =	vadd.f32 v3, v2;
	v3 =	vmul.f32 v61, v62  }
0xd5: {  	v18 =	vld.idx.msk [tilespmem:v63+s11+$0x0], $0xffff  }
0xd6: {  	v21 =	vld [tilespmem:s24+$0x300];
	v2 =	vadd.f32 v3, v2;
	v3 =	vmul.f32 v13, v14  }
0xd7: {  	v20 =	vld.idx.msk [tilespmem:v15+s11+$0x0], $0xffff  }
0xd8: {  	v22 =	vld [tilespmem:s24+$0x380];
	v2 =	vadd.f32 v3, v2;
	v3 =	vmul.f32 v16, v17  }
0xd9: {  	v1 =	vld.idx.msk [tilespmem:v1+s11+$0x0], $0xffff  }
0xda: {  	v2 =	vadd.f32 v3, v2;
	v3 =	vmul.f32 v18, v19;
	_ =	sdelay $0x1  }
0xdb: {  	v2 =	vadd.f32 v3, v2;
	v3 =	vmul.f32 v20, v21;
	_ =	sdelay $0x1  }
0xdc: {  	v1 =	vmul.f32 v1, v22;
	v2 =	vadd.f32 v3, v2;
	_ =	sdelay $0x1  }
0xdd: {  	v1 =	vadd.f32 v1, v2;
	_ =	sdelay $0x1  }
0xde: {  	v1 =	vsub.f32 $0.0e+00, v1;
	_ =	sdelay $0x1  }
0xdf: {  	v1 =	vmul.f32 $1.442695020e+00, v1;
	_ =	sdelay $0x1  }
0xe0: {  	(erf) = vpow2.f32 v1;
	_ =	sdelay $0x8  }
0xe1: {  	v1 =	vpop (erf)  }
0xe2: {  	v1 =	vadd.f32 $1.000000000e+00, v1;
	_ =	sdelay $0x1  }
0xe3: {  	(erf) = vrcp.f32 v1;
	_ =	sdelay $0x8  }
0xe4: {  	s26 =	sadd.s32 $0x10, s25;
	v1 =	vpop (erf)  }
0xe5: {  	[tilespmem:s26+$0x0] =	vst v1  }
0xe6: {  	_ =	swait.ge [sflag:s21], $0x4000  }
0xe7: {  	[sflag:s21] =	ssyncset.done $0x0  }
0xe8: {  	s24 =	simm.s32 $0x0;
	[sflag:s21] =	ssyncadd.s32 $0xFFFFC000  }
0xe9: {  	v1 =	vld [tilespmem:s24+$0x80];
	_ =	sdelay $0x2  }
0xea: {  	s25 =	simm.s32 $0x80  }
0xeb: {  	v2 =	vmov s25  }
0xec: {  	v2 =	vshll.u32 v2, $0x7;
	v1 =	vshll.u32 v1, $0x4  }
0xed: {  	s31 =	simm.s32 $0x1000;
	v2 =	vor.u32 v0, v2;
	v1 =	vand.u32 $0x70, v1  }
0xee: {  	s26 =	sand.u32 $0xFFFFF000, s31;
	v1 =	vor.u32 v2, v1  }
0xef: {  	s28 =	sadd.s32 $0x0, s26  }
0xf0: {  	s28 =	sadd.s32 $0x4E00, s28;
	v2 =	vor.u32 $0x1, v1  }
0xf1: {  	s26 =	sshrl.u32 s26, $0x2;
	s28 =	sshra.s32 s28, $0x2  }
0xf2: {  	s26 =	sadd.s32 $0x0, s26;
	v24 =	vld [tilespmem:s28+$0xF080];
	v3 =	vor.u32 $0x2, v1  }
0xf3: {  	s29 =	sadd.s32 $0x10400, s26;
	v23 =	vld.idx.msk [tilespmem:v1+s11+$0x0], $0xffff  }
0xf4: {  	v26 =	vld [tilespmem:s29+$0x80];
	v25 =	vor.u32 $0x3, v1  }
0xf5: {  	v2 =	vld.idx.msk [tilespmem:v2+s11+$0x0], $0xffff  }
0xf6: {  	v28 =	vld [tilespmem:s29+$0x100];
	v27 =	vor.u32 $0x4, v1  }
0xf7: {  	v3 =	vld.idx.msk [tilespmem:v3+s11+$0x0], $0xffff  }
0xf8: {  	v31 =	vld [tilespmem:s29+$0x180];
	v29 =	vor.u32 $0x5, v1;
	v4 =	vmul.f32 v23, v24  }
0xf9: {  	v30 =	vld.idx.msk [tilespmem:v25+s11+$0x0], $0xffff  }
0xfa: {  	v34 =	vld [tilespmem:s29+$0x200];
	v32 =	vor.u32 $0x6, v1;
	v2 =	vmul.f32 v2, v26;
	v4 =	vadd.f32 $0.0e+00, v4  }
0xfb: {  	v33 =	vld.idx.msk [tilespmem:v27+s11+$0x0], $0xffff  }
0xfc: {  	v37 =	vld [tilespmem:s29+$0x280];
	v35 =	vor.u32 $0x7, v1;
	v3 =	vmul.f32 v3, v28;
	v2 =	vadd.f32 v2, v4  }
0xfd: {  	s26 =	simm.s32 $0x400;
	v36 =	vld.idx.msk [tilespmem:v29+s11+$0x0], $0xffff  }
0xfe: {  	v40 =	vld [tilespmem:s29+$0x300];
	s30 =	sor.u32 s26, s25;
	v38 =	vor.u32 $0x8, v1;
	v2 =	vadd.f32 v3, v2;
	v3 =	vmul.f32 v30, v31  }
0xff: {  	s30 =	sor.u32 $0x380, s30;
	v39 =	vld.idx.msk [tilespmem:v32+s11+$0x0], $0xffff  }
0x100: {  	v43 =	vld [tilespmem:s30+$0x10400];
	v41 =	vor.u32 $0x9, v1;
	v2 =	vadd.f32 v3, v2;
	v3 =	vmul.f32 v33, v34  }
0x101: {  	v42 =	vld.idx.msk [tilespmem:v35+s11+$0x0], $0xffff  }
0x102: {  	v46 =	vld [tilespmem:s29+$0x1000];
	v44 =	vor.u32 $0xA, v1;
	v2 =	vadd.f32 v3, v2;
	v3 =	vmul.f32 v36, v37  }
0x103: {  	v45 =	vld.idx.msk [tilespmem:v38+s11+$0x0], $0xffff  }
0x104: {  	v49 =	vld [tilespmem:s29+$0x1080];
	v47 =	vor.u32 $0xB, v1;
	v2 =	vadd.f32 v3, v2;
	v3 =	vmul.f32 v39, v40  }
0x105: {  	v48 =	vld.idx.msk [tilespmem:v41+s11+$0x0], $0xffff  }
0x106: {  	v52 =	vld [tilespmem:s29+$0x1100];
	v50 =	vor.u32 $0xC, v1;
	v2 =	vadd.f32 v3, v2;
	v3 =	vmul.f32 v42, v43  }
0x107: {  	v51 =	vld.idx.msk [tilespmem:v44+s11+$0x0], $0xffff  }
0x108: {  	v55 =	vld [tilespmem:s29+$0x1180];
	v53 =	vor.u32 $0xD, v1;
	v2 =	vadd.f32 v3, v2;
	v3 =	vmul.f32 v45, v46  }
0x109: {  	v54 =	vld.idx.msk [tilespmem:v47+s11+$0x0], $0xffff  }
0x10a: {  	v58 =	vld [tilespmem:s29+$0x1200];
	v56 =	vor.u32 $0xE, v1;
	v2 =	vadd.f32 v3, v2;
	v3 =	vmul.f32 v48, v49  }
0x10b: {  	v57 =	vld.idx.msk [tilespmem:v50+s11+$0x0], $0xffff  }
0x10c: {  	v60 =	vld [tilespmem:s29+$0x1280];
	v1 =	vor.u32 $0xF, v1;
	v2 =	vadd.f32 v3, v2;
	v3 =	vmul.f32 v51, v52  }
0x10d: {  	v59 =	vld.idx.msk [tilespmem:v53+s11+$0x0], $0xffff  }
0x10e: {  	v62 =	vld [tilespmem:s29+$0x1300];
	v2 =	vadd.f32 v3, v2;
	v3 =	vmul.f32 v54, v55  }
0x10f: {  	v61 =	vld.idx.msk [tilespmem:v56+s11+$0x0], $0xffff  }
0x110: {  	v63 =	vld [tilespmem:s28+$0x10400];
	v2 =	vadd.f32 v3, v2;
	v3 =	vmul.f32 v57, v58  }
0x111: {  	v1 =	vld.idx.msk [tilespmem:v1+s11+$0x0], $0xffff  }
0x112: {  	v2 =	vadd.f32 v3, v2;
	v3 =	vmul.f32 v59, v60;
	_ =	sdelay $0x1  }
0x113: {  	v2 =	vadd.f32 v3, v2;
	v3 =	vmul.f32 v61, v62;
	_ =	sdelay $0x1  }
0x114: {  	v1 =	vmul.f32 v1, v63;
	v2 =	vadd.f32 v3, v2;
	_ =	sdelay $0x1  }
0x115: {  	v1 =	vadd.f32 v1, v2;
	_ =	sdelay $0x1  }
0x116: {  	v1 =	vsub.f32 $0.0e+00, v1;
	_ =	sdelay $0x1  }
0x117: {  	v1 =	vmul.f32 $1.442695020e+00, v1;
	_ =	sdelay $0x1  }
0x118: {  	(erf) = vpow2.f32 v1;
	_ =	sdelay $0x8  }
0x119: {  	v1 =	vpop (erf)  }
0x11a: {  	s28 =	simm.s32 $0x40;
	s29 =	simm.s32 $0x80;
	s30 =	simm.s32 $0x10;
	v1 =	vadd.f32 $1.000000000e+00, v1  }
.LBB2_4:
0x11b: {  	p0 =	sne.s32 s29, $0x1C0;
	v2 =	vld [tilespmem:s30+$0x80]  }
0x11c: {  	(erf) = vrcp.f32 v1;
	_ =	sdelay $0x1  }
0x11d: {  	s25 =	sadd.s32 $0x10, s25  }
0x11e: {  	v1 =	vmov s25  }
0x11f: {  	v1 =	vshll.u32 v1, $0x7;
	v2 =	vshll.u32 v2, $0x4  }
0x120: {  	v1 =	vor.u32 v0, v1;
	v2 =	vand.u32 $0x70, v2  }
0x121: {  	s26 =	sadd.s32 $0x80, s26;
	v1 =	vor.u32 v1, v2  }
0x122: {  	s31 =	sshll.u32 s26, $0x2  }
0x123: {  	s31 =	sand.u32 $0xFFFFF000, s31;
	v2 =	vor.u32 $0x1, v1  }
0x124: {  	s0 =	sadd.s32 s28, s31;
	s28 =	smov.u32 s29;
	v3 =	vpop (erf)  }
0x125: {  	s0 =	sadd.s32 $0x4E00, s0;
	v4 =	vor.u32 $0x2, v1;
	[tilespmem:s24+$0x12480] =	vst v3;
	s24 =	smov.u32 s30  }
0x126: {  	s30 =	sshra.s32 s0, $0x2;
	s0 =	sshrl.u32 s31, $0x2;
	v3 =	vld.idx.msk [tilespmem:v1+s11+$0x0], $0xffff  }
0x127: {  	v6 =	vor.u32 $0x3, v1;
	s0 =	sadd.s32 s0, s24;
	v5 =	vld [tilespmem:s30+$0xF080]  }
0x128: {  	s31 =	sadd.s32 $0x10400, s0;
	v2 =	vld.idx.msk [tilespmem:v2+s11+$0x0], $0xffff  }
0x129: {  	v8 =	vor.u32 $0x4, v1;
	v7 =	vld [tilespmem:s31+$0x80]  }
0x12a: {  	v4 =	vld.idx.msk [tilespmem:v4+s11+$0x0], $0xffff  }
0x12b: {  	v10 =	vor.u32 $0x5, v1;
	v9 =	vld [tilespmem:s31+$0x100]  }
0x12c: {  	v3 =	vmul.f32 v3, v5;
	v5 =	vld.idx.msk [tilespmem:v6+s11+$0x0], $0xffff  }
0x12d: {  	v11 =	vor.u32 $0x6, v1;
	v6 =	vld [tilespmem:s31+$0x180]  }
0x12e: {  	v3 =	vadd.f32 $0.0e+00, v3;
	v2 =	vmul.f32 v2, v7;
	v7 =	vld.idx.msk [tilespmem:v8+s11+$0x0], $0xffff  }
0x12f: {  	v12 =	vor.u32 $0x7, v1;
	v8 =	vld [tilespmem:s31+$0x200]  }
0x130: {  	v2 =	vadd.f32 v2, v3;
	v3 =	vmul.f32 v4, v9;
	v4 =	vld.idx.msk [tilespmem:v10+s11+$0x0], $0xffff  }
0x131: {  	v10 =	vor.u32 $0x8, v1;
	v9 =	vld [tilespmem:s31+$0x280]  }
0x132: {  	v2 =	vadd.f32 v3, v2;
	v3 =	vmul.f32 v5, v6;
	v5 =	vld.idx.msk [tilespmem:v11+s11+$0x0], $0xffff  }
0x133: {  	s0 =	sor.u32 s26, s25;
	v11 =	vor.u32 $0x9, v1;
	v6 =	vld [tilespmem:s31+$0x300]  }
0x134: {  	s0 =	sor.u32 $0x380, s0;
	v2 =	vadd.f32 v3, v2;
	v3 =	vmul.f32 v7, v8;
	v7 =	vld.idx.msk [tilespmem:v12+s11+$0x0], $0xffff  }
0x135: {  	v12 =	vor.u32 $0xA, v1;
	v8 =	vld [tilespmem:s0+$0x10400]  }
0x136: {  	v2 =	vadd.f32 v3, v2;
	v3 =	vmul.f32 v4, v9;
	v4 =	vld.idx.msk [tilespmem:v10+s11+$0x0], $0xffff  }
0x137: {  	v10 =	vor.u32 $0xB, v1;
	v9 =	vld [tilespmem:s31+$0x1000]  }
0x138: {  	v2 =	vadd.f32 v3, v2;
	v3 =	vmul.f32 v5, v6;
	v5 =	vld.idx.msk [tilespmem:v11+s11+$0x0], $0xffff  }
0x139: {  	v11 =	vor.u32 $0xC, v1;
	v6 =	vld [tilespmem:s31+$0x1080]  }
0x13a: {  	v2 =	vadd.f32 v3, v2;
	v3 =	vmul.f32 v7, v8;
	v7 =	vld.idx.msk [tilespmem:v12+s11+$0x0], $0xffff  }
0x13b: {  	v12 =	vor.u32 $0xD, v1;
	v8 =	vld [tilespmem:s31+$0x1100]  }
0x13c: {  	v2 =	vadd.f32 v3, v2;
	v3 =	vmul.f32 v4, v9;
	v4 =	vld.idx.msk [tilespmem:v10+s11+$0x0], $0xffff  }
0x13d: {  	v10 =	vor.u32 $0xE, v1;
	v9 =	vld [tilespmem:s31+$0x1180]  }
0x13e: {  	v2 =	vadd.f32 v3, v2;
	v3 =	vmul.f32 v5, v6;
	v5 =	vld.idx.msk [tilespmem:v11+s11+$0x0], $0xffff  }
0x13f: {  	v1 =	vor.u32 $0xF, v1;
	v6 =	vld [tilespmem:s31+$0x1200]  }
0x140: {  	v2 =	vadd.f32 v3, v2;
	v3 =	vmul.f32 v7, v8;
	v7 =	vld.idx.msk [tilespmem:v12+s11+$0x0], $0xffff  }
0x141: {  	v8 =	vld [tilespmem:s31+$0x1280]  }
0x142: {  	v2 =	vadd.f32 v3, v2;
	v3 =	vmul.f32 v4, v9;
	v4 =	vld.idx.msk [tilespmem:v10+s11+$0x0], $0xffff  }
0x143: {  	v9 =	vld [tilespmem:s31+$0x1300]  }
0x144: {  	v2 =	vadd.f32 v3, v2;
	v3 =	vmul.f32 v5, v6;
	v1 =	vld.idx.msk [tilespmem:v1+s11+$0x0], $0xffff  }
0x145: {  	v5 =	vld [tilespmem:s30+$0x10400]  }
0x146: {  	v2 =	vadd.f32 v3, v2;
	v3 =	vmul.f32 v7, v8;
	_ =	sdelay $0x1  }
0x147: {  	v2 =	vadd.f32 v3, v2;
	v3 =	vmul.f32 v4, v9;
	_ =	sdelay $0x1  }
0x148: {  	v2 =	vadd.f32 v3, v2;
	v1 =	vmul.f32 v1, v5;
	_ =	sdelay $0x1  }
0x149: {  	v1 =	vadd.f32 v1, v2;
	_ =	sdelay $0x1  }
0x14a: {  	v1 =	vsub.f32 $0.0e+00, v1;
	_ =	sdelay $0x1  }
0x14b: {  	v1 =	vmul.f32 $1.442695020e+00, v1;
	_ =	sdelay $0x1  }
0x14c: {  	(erf) = vpow2.f32 v1;
	_ =	sdelay $0x5  }
.Ltmp1:
0x14d: {  	(pc) =	sbr.rel @p0 .LBB2_4-.Ltmp1, $3  }
0x14e: {  	_ =	sdelay $0x1  }
0x14f: {  	v1 =	vpop (erf)  }
0x150: {  	s29 =	sadd.s32 $0x40, s29;
	s30 =	sshra.s32 s28, $0x2;
	v1 =	vadd.f32 $1.000000000e+00, v1  }
0x151: {  	v2 =	vld [tilespmem:s30+$0x80]  }
0x152: {  	(erf) = vrcp.f32 v1;
	_ =	sdelay $0x1  }
0x153: {  	s0 =	sadd.s32 $0x10, s25  }
0x154: {  	v1 =	vmov s0  }
0x155: {  	v1 =	vshll.u32 v1, $0x7;
	v2 =	vshll.u32 v2, $0x4  }
0x156: {  	v1 =	vor.u32 v0, v1;
	v2 =	vand.u32 $0x70, v2  }
0x157: {  	s26 =	sadd.s32 $0x80, s26;
	v1 =	vor.u32 v1, v2  }
0x158: {  	s31 =	sshll.u32 s26, $0x2  }
0x159: {  	s25 =	sand.u32 $0xFFFFF000, s31  }
0x15a: {  	s28 =	sadd.s32 s28, s25;
	v2 =	vor.u32 $0x1, v1;
	v3 =	vpop (erf)  }
0x15b: {  	s25 =	sshrl.u32 s25, $0x2;
	s28 =	sadd.s32 $0x4E00, s28;
	[tilespmem:s24+$0x12480] =	vst v3  }
0x15c: {  	s25 =	sadd.s32 s25, s30;
	s31 =	sshra.s32 s28, $0x2;
	v4 =	vor.u32 $0x2, v1;
	v3 =	vld.idx.msk [tilespmem:v1+s11+$0x0], $0xffff  }
0x15d: {  	s25 =	sadd.s32 $0x10400, s25;
	v5 =	vld [tilespmem:s31+$0xF080]  }
0x15e: {  	v6 =	vor.u32 $0x3, v1;
	v7 =	vld [tilespmem:s25+$0x80]  }
0x15f: {  	v2 =	vld.idx.msk [tilespmem:v2+s11+$0x0], $0xffff  }
0x160: {  	v8 =	vor.u32 $0x4, v1;
	v9 =	vld [tilespmem:s25+$0x100]  }
0x161: {  	v4 =	vld.idx.msk [tilespmem:v4+s11+$0x0], $0xffff  }
0x162: {  	v10 =	vor.u32 $0x5, v1;
	v43 =	vld [tilespmem:s25+$0x180];
	v3 =	vmul.f32 v3, v5  }
0x163: {  	v42 =	vld.idx.msk [tilespmem:v6+s11+$0x0], $0xffff  }
0x164: {  	v11 =	vor.u32 $0x6, v1;
	v45 =	vld [tilespmem:s25+$0x200];
	v2 =	vmul.f32 v2, v7;
	v3 =	vadd.f32 $0.0e+00, v3  }
0x165: {  	v44 =	vld.idx.msk [tilespmem:v8+s11+$0x0], $0xffff  }
0x166: {  	v12 =	vor.u32 $0x7, v1;
	v47 =	vld [tilespmem:s25+$0x280];
	v2 =	vadd.f32 v2, v3;
	v3 =	vmul.f32 v4, v9  }
0x167: {  	v46 =	vld.idx.msk [tilespmem:v10+s11+$0x0], $0xffff  }
0x168: {  	s0 =	sor.u32 s26, s0;
	v48 =	vor.u32 $0x8, v1;
	v50 =	vld [tilespmem:s25+$0x300];
	v2 =	vadd.f32 v3, v2;
	v3 =	vmul.f32 v42, v43  }
0x169: {  	s0 =	sor.u32 $0x380, s0;
	v49 =	vld.idx.msk [tilespmem:v11+s11+$0x0], $0xffff  }
0x16a: {  	v51 =	vor.u32 $0x9, v1;
	v53 =	vld [tilespmem:s0+$0x10400];
	v2 =	vadd.f32 v3, v2;
	v3 =	vmul.f32 v44, v45  }
0x16b: {  	v52 =	vld.idx.msk [tilespmem:v12+s11+$0x0], $0xffff  }
0x16c: {  	v54 =	vor.u32 $0xA, v1;
	v56 =	vld [tilespmem:s25+$0x1000];
	v2 =	vadd.f32 v3, v2;
	v3 =	vmul.f32 v46, v47  }
0x16d: {  	v55 =	vld.idx.msk [tilespmem:v48+s11+$0x0], $0xffff  }
0x16e: {  	v57 =	vor.u32 $0xB, v1;
	v59 =	vld [tilespmem:s25+$0x1080];
	v2 =	vadd.f32 v3, v2;
	v3 =	vmul.f32 v49, v50  }
0x16f: {  	v58 =	vld.idx.msk [tilespmem:v51+s11+$0x0], $0xffff  }
0x170: {  	v60 =	vor.u32 $0xC, v1;
	v62 =	vld [tilespmem:s25+$0x1100];
	v2 =	vadd.f32 v3, v2;
	v3 =	vmul.f32 v52, v53  }
0x171: {  	v61 =	vld.idx.msk [tilespmem:v54+s11+$0x0], $0xffff  }
0x172: {  	v63 =	vor.u32 $0xD, v1;
	v14 =	vld [tilespmem:s25+$0x1180];
	v2 =	vadd.f32 v3, v2;
	v3 =	vmul.f32 v55, v56  }
0x173: {  	v13 =	vld.idx.msk [tilespmem:v57+s11+$0x0], $0xffff  }
0x174: {  	v15 =	vor.u32 $0xE, v1;
	v17 =	vld [tilespmem:s25+$0x1200];
	v2 =	vadd.f32 v3, v2;
	v3 =	vmul.f32 v58, v59  }
0x175: {  	v16 =	vld.idx.msk [tilespmem:v60+s11+$0x0], $0xffff  }
0x176: {  	v1 =	vor.u32 $0xF, v1;
	v19 =	vld [tilespmem:s25+$0x1280];
	v2 =	vadd.f32 v3, v2;
	v3 =	vmul.f32 v61, v62  }
0x177: {  	v18 =	vld.idx.msk [tilespmem:v63+s11+$0x0], $0xffff  }
0x178: {  	v21 =	vld [tilespmem:s25+$0x1300];
	v2 =	vadd.f32 v3, v2;
	v3 =	vmul.f32 v13, v14  }
0x179: {  	v20 =	vld.idx.msk [tilespmem:v15+s11+$0x0], $0xffff  }
0x17a: {  	v22 =	vld [tilespmem:s31+$0x10400];
	v2 =	vadd.f32 v3, v2;
	v3 =	vmul.f32 v16, v17  }
0x17b: {  	v1 =	vld.idx.msk [tilespmem:v1+s11+$0x0], $0xffff  }
0x17c: {  	v2 =	vadd.f32 v3, v2;
	v3 =	vmul.f32 v18, v19;
	_ =	sdelay $0x1  }
0x17d: {  	v2 =	vadd.f32 v3, v2;
	v3 =	vmul.f32 v20, v21;
	_ =	sdelay $0x1  }
0x17e: {  	v1 =	vmul.f32 v1, v22;
	v2 =	vadd.f32 v3, v2;
	_ =	sdelay $0x1  }
0x17f: {  	v1 =	vadd.f32 v1, v2;
	_ =	sdelay $0x1  }
0x180: {  	v1 =	vsub.f32 $0.0e+00, v1;
	_ =	sdelay $0x1  }
0x181: {  	v1 =	vmul.f32 $1.442695020e+00, v1;
	_ =	sdelay $0x1  }
0x182: {  	(erf) = vpow2.f32 v1;
	_ =	sdelay $0x8  }
0x183: {  	v1 =	vpop (erf)  }
0x184: {  	v1 =	vadd.f32 $1.000000000e+00, v1;
	_ =	sdelay $0x1  }
0x185: {  	(erf) = vrcp.f32 v1;
	_ =	sdelay $0x8  }
0x186: {  	v1 =	vpop (erf)  }
0x187: {  	[tilespmem:s30+$0x12480] =	vst v1  }
0x188: {  	_ =	swait.ge [sflag:s21], $0x4000  }
0x189: {  	[sflag:s21] =	ssyncset.done $0x0  }
0x18a: {  	s24 =	simm.s32 $0x0;
	[sflag:s21] =	ssyncadd.s32 $0xFFFFC000  }
0x18b: {  	v1 =	vld [tilespmem:s24+$0x100];
	_ =	sdelay $0x2  }
0x18c: {  	s25 =	simm.s32 $0x100  }
0x18d: {  	v2 =	vmov s25  }
0x18e: {  	v2 =	vshll.u32 v2, $0x7;
	v1 =	vshll.u32 v1, $0x4  }
0x18f: {  	s26 =	simm.s32 $0x2000;
	v2 =	vor.u32 v0, v2;
	v1 =	vand.u32 $0x70, v1  }
0x190: {  	s0 =	sand.u32 $0xFFFFF000, s26;
	v1 =	vor.u32 v2, v1  }
0x191: {  	s31 =	sadd.s32 $0x0, s0  }
0x192: {  	s26 =	sadd.s32 $0x4E00, s31;
	v2 =	vor.u32 $0x1, v1  }
0x193: {  	s0 =	sshrl.u32 s0, $0x2;
	s28 =	sshra.s32 s26, $0x2  }
0x194: {  	s0 =	sadd.s32 $0x0, s0;
	v24 =	vld [tilespmem:s28+$0xF080];
	v3 =	vor.u32 $0x2, v1  }
0x195: {  	s29 =	sadd.s32 $0x10400, s0;
	v23 =	vld.idx.msk [tilespmem:v1+s11+$0x0], $0xffff  }
0x196: {  	v26 =	vld [tilespmem:s29+$0x80];
	v25 =	vor.u32 $0x3, v1  }
0x197: {  	v2 =	vld.idx.msk [tilespmem:v2+s11+$0x0], $0xffff  }
0x198: {  	v28 =	vld [tilespmem:s29+$0x100];
	v27 =	vor.u32 $0x4, v1  }
0x199: {  	v3 =	vld.idx.msk [tilespmem:v3+s11+$0x0], $0xffff  }
0x19a: {  	v31 =	vld [tilespmem:s29+$0x180];
	v29 =	vor.u32 $0x5, v1;
	v4 =	vmul.f32 v23, v24  }
0x19b: {  	v30 =	vld.idx.msk [tilespmem:v25+s11+$0x0], $0xffff  }
0x19c: {  	v34 =	vld [tilespmem:s29+$0x200];
	v32 =	vor.u32 $0x6, v1;
	v2 =	vmul.f32 v2, v26;
	v4 =	vadd.f32 $0.0e+00, v4  }
0x19d: {  	v33 =	vld.idx.msk [tilespmem:v27+s11+$0x0], $0xffff  }
0x19e: {  	v37 =	vld [tilespmem:s29+$0x280];
	v35 =	vor.u32 $0x7, v1;
	v3 =	vmul.f32 v3, v28;
	v2 =	vadd.f32 v2, v4  }
0x19f: {  	s26 =	simm.s32 $0x800;
	v36 =	vld.idx.msk [tilespmem:v29+s11+$0x0], $0xffff  }
0x1a0: {  	s31 =	sor.u32 s26, s25;
	v40 =	vld [tilespmem:s29+$0x300];
	v38 =	vor.u32 $0x8, v1;
	v2 =	vadd.f32 v3, v2;
	v3 =	vmul.f32 v30, v31  }
0x1a1: {  	s0 =	sor.u32 $0x380, s31;
	v39 =	vld.idx.msk [tilespmem:v32+s11+$0x0], $0xffff  }
0x1a2: {  	v43 =	vld [tilespmem:s0+$0x10400];
	v41 =	vor.u32 $0x9, v1;
	v2 =	vadd.f32 v3, v2;
	v3 =	vmul.f32 v33, v34  }
0x1a3: {  	v42 =	vld.idx.msk [tilespmem:v35+s11+$0x0], $0xffff  }
0x1a4: {  	v46 =	vld [tilespmem:s29+$0x1000];
	v44 =	vor.u32 $0xA, v1;
	v2 =	vadd.f32 v3, v2;
	v3 =	vmul.f32 v36, v37  }
0x1a5: {  	v45 =	vld.idx.msk [tilespmem:v38+s11+$0x0], $0xffff  }
0x1a6: {  	v49 =	vld [tilespmem:s29+$0x1080];
	v47 =	vor.u32 $0xB, v1;
	v2 =	vadd.f32 v3, v2;
	v3 =	vmul.f32 v39, v40  }
0x1a7: {  	v48 =	vld.idx.msk [tilespmem:v41+s11+$0x0], $0xffff  }
0x1a8: {  	v52 =	vld [tilespmem:s29+$0x1100];
	v50 =	vor.u32 $0xC, v1;
	v2 =	vadd.f32 v3, v2;
	v3 =	vmul.f32 v42, v43  }
0x1a9: {  	v51 =	vld.idx.msk [tilespmem:v44+s11+$0x0], $0xffff  }
0x1aa: {  	v55 =	vld [tilespmem:s29+$0x1180];
	v53 =	vor.u32 $0xD, v1;
	v2 =	vadd.f32 v3, v2;
	v3 =	vmul.f32 v45, v46  }
0x1ab: {  	v54 =	vld.idx.msk [tilespmem:v47+s11+$0x0], $0xffff  }
0x1ac: {  	v58 =	vld [tilespmem:s29+$0x1200];
	v56 =	vor.u32 $0xE, v1;
	v2 =	vadd.f32 v3, v2;
	v3 =	vmul.f32 v48, v49  }
0x1ad: {  	v57 =	vld.idx.msk [tilespmem:v50+s11+$0x0], $0xffff  }
0x1ae: {  	v60 =	vld [tilespmem:s29+$0x1280];
	v1 =	vor.u32 $0xF, v1;
	v2 =	vadd.f32 v3, v2;
	v3 =	vmul.f32 v51, v52  }
0x1af: {  	v59 =	vld.idx.msk [tilespmem:v53+s11+$0x0], $0xffff  }
0x1b0: {  	v62 =	vld [tilespmem:s29+$0x1300];
	v2 =	vadd.f32 v3, v2;
	v3 =	vmul.f32 v54, v55  }
0x1b1: {  	v61 =	vld.idx.msk [tilespmem:v56+s11+$0x0], $0xffff  }
0x1b2: {  	v63 =	vld [tilespmem:s28+$0x10400];
	v2 =	vadd.f32 v3, v2;
	v3 =	vmul.f32 v57, v58  }
0x1b3: {  	v1 =	vld.idx.msk [tilespmem:v1+s11+$0x0], $0xffff  }
0x1b4: {  	v2 =	vadd.f32 v3, v2;
	v3 =	vmul.f32 v59, v60;
	_ =	sdelay $0x1  }
0x1b5: {  	v2 =	vadd.f32 v3, v2;
	v3 =	vmul.f32 v61, v62;
	_ =	sdelay $0x1  }
0x1b6: {  	v1 =	vmul.f32 v1, v63;
	v2 =	vadd.f32 v3, v2;
	_ =	sdelay $0x1  }
0x1b7: {  	v1 =	vadd.f32 v1, v2;
	_ =	sdelay $0x1  }
0x1b8: {  	v1 =	vsub.f32 $0.0e+00, v1;
	_ =	sdelay $0x1  }
0x1b9: {  	v1 =	vmul.f32 $1.442695020e+00, v1;
	_ =	sdelay $0x1  }
0x1ba: {  	(erf) = vpow2.f32 v1;
	_ =	sdelay $0x8  }
0x1bb: {  	v1 =	vpop (erf)  }
0x1bc: {  	s30 =	simm.s32 $0x10;
	s28 =	simm.s32 $0x40;
	s29 =	simm.s32 $0x80;
	v1 =	vadd.f32 $1.000000000e+00, v1  }
.LBB2_6:
0x1bd: {  	p0 =	sne.s32 s29, $0x1C0;
	v2 =	vld [tilespmem:s30+$0x100]  }
0x1be: {  	(erf) = vrcp.f32 v1;
	_ =	sdelay $0x1  }
0x1bf: {  	s25 =	sadd.s32 $0x10, s25  }
0x1c0: {  	v1 =	vmov s25  }
0x1c1: {  	v1 =	vshll.u32 v1, $0x7;
	v2 =	vshll.u32 v2, $0x4  }
0x1c2: {  	v1 =	vor.u32 v0, v1;
	v2 =	vand.u32 $0x70, v2  }
0x1c3: {  	s26 =	sadd.s32 $0x80, s26;
	v1 =	vor.u32 v1, v2  }
0x1c4: {  	s0 =	sshll.u32 s26, $0x2  }
0x1c5: {  	s0 =	sand.u32 $0xFFFFF000, s0;
	v2 =	vor.u32 $0x1, v1  }
0x1c6: {  	s31 =	sadd.s32 s28, s0;
	s28 =	smov.u32 s29;
	v3 =	vpop (erf)  }
0x1c7: {  	s31 =	sadd.s32 $0x4E00, s31;
	v4 =	vor.u32 $0x2, v1;
	[tilespmem:s24+$0x12500] =	vst v3;
	s24 =	smov.u32 s30  }
0x1c8: {  	s0 =	sshrl.u32 s0, $0x2;
	s30 =	sshra.s32 s31, $0x2;
	v3 =	vld.idx.msk [tilespmem:v1+s11+$0x0], $0xffff  }
0x1c9: {  	v6 =	vor.u32 $0x3, v1;
	s0 =	sadd.s32 s0, s24;
	v5 =	vld [tilespmem:s30+$0xF080]  }
0x1ca: {  	s31 =	sadd.s32 $0x10400, s0;
	v2 =	vld.idx.msk [tilespmem:v2+s11+$0x0], $0xffff  }
0x1cb: {  	v8 =	vor.u32 $0x4, v1;
	v7 =	vld [tilespmem:s31+$0x80]  }
0x1cc: {  	v4 =	vld.idx.msk [tilespmem:v4+s11+$0x0], $0xffff  }
0x1cd: {  	v10 =	vor.u32 $0x5, v1;
	v9 =	vld [tilespmem:s31+$0x100]  }
0x1ce: {  	v3 =	vmul.f32 v3, v5;
	v5 =	vld.idx.msk [tilespmem:v6+s11+$0x0], $0xffff  }
0x1cf: {  	v11 =	vor.u32 $0x6, v1;
	v6 =	vld [tilespmem:s31+$0x180]  }
0x1d0: {  	v3 =	vadd.f32 $0.0e+00, v3;
	v2 =	vmul.f32 v2, v7;
	v7 =	vld.idx.msk [tilespmem:v8+s11+$0x0], $0xffff  }
0x1d1: {  	v12 =	vor.u32 $0x7, v1;
	v8 =	vld [tilespmem:s31+$0x200]  }
0x1d2: {  	v2 =	vadd.f32 v2, v3;
	v3 =	vmul.f32 v4, v9;
	v4 =	vld.idx.msk [tilespmem:v10+s11+$0x0], $0xffff  }
0x1d3: {  	v10 =	vor.u32 $0x8, v1;
	v9 =	vld [tilespmem:s31+$0x280]  }
0x1d4: {  	v2 =	vadd.f32 v3, v2;
	v3 =	vmul.f32 v5, v6;
	v5 =	vld.idx.msk [tilespmem:v11+s11+$0x0], $0xffff  }
0x1d5: {  	s0 =	sor.u32 s26, s25;
	v11 =	vor.u32 $0x9, v1;
	v6 =	vld [tilespmem:s31+$0x300]  }
0x1d6: {  	s0 =	sor.u32 $0x380, s0;
	v2 =	vadd.f32 v3, v2;
	v3 =	vmul.f32 v7, v8;
	v7 =	vld.idx.msk [tilespmem:v12+s11+$0x0], $0xffff  }
0x1d7: {  	v12 =	vor.u32 $0xA, v1;
	v8 =	vld [tilespmem:s0+$0x10400]  }
0x1d8: {  	v2 =	vadd.f32 v3, v2;
	v3 =	vmul.f32 v4, v9;
	v4 =	vld.idx.msk [tilespmem:v10+s11+$0x0], $0xffff  }
0x1d9: {  	v10 =	vor.u32 $0xB, v1;
	v9 =	vld [tilespmem:s31+$0x1000]  }
0x1da: {  	v2 =	vadd.f32 v3, v2;
	v3 =	vmul.f32 v5, v6;
	v5 =	vld.idx.msk [tilespmem:v11+s11+$0x0], $0xffff  }
0x1db: {  	v11 =	vor.u32 $0xC, v1;
	v6 =	vld [tilespmem:s31+$0x1080]  }
0x1dc: {  	v2 =	vadd.f32 v3, v2;
	v3 =	vmul.f32 v7, v8;
	v7 =	vld.idx.msk [tilespmem:v12+s11+$0x0], $0xffff  }
0x1dd: {  	v12 =	vor.u32 $0xD, v1;
	v8 =	vld [tilespmem:s31+$0x1100]  }
0x1de: {  	v2 =	vadd.f32 v3, v2;
	v3 =	vmul.f32 v4, v9;
	v4 =	vld.idx.msk [tilespmem:v10+s11+$0x0], $0xffff  }
0x1df: {  	v10 =	vor.u32 $0xE, v1;
	v9 =	vld [tilespmem:s31+$0x1180]  }
0x1e0: {  	v2 =	vadd.f32 v3, v2;
	v3 =	vmul.f32 v5, v6;
	v5 =	vld.idx.msk [tilespmem:v11+s11+$0x0], $0xffff  }
0x1e1: {  	v1 =	vor.u32 $0xF, v1;
	v6 =	vld [tilespmem:s31+$0x1200]  }
0x1e2: {  	v2 =	vadd.f32 v3, v2;
	v3 =	vmul.f32 v7, v8;
	v7 =	vld.idx.msk [tilespmem:v12+s11+$0x0], $0xffff  }
0x1e3: {  	v8 =	vld [tilespmem:s31+$0x1280]  }
0x1e4: {  	v2 =	vadd.f32 v3, v2;
	v3 =	vmul.f32 v4, v9;
	v4 =	vld.idx.msk [tilespmem:v10+s11+$0x0], $0xffff  }
0x1e5: {  	v9 =	vld [tilespmem:s31+$0x1300]  }
0x1e6: {  	v2 =	vadd.f32 v3, v2;
	v3 =	vmul.f32 v5, v6;
	v1 =	vld.idx.msk [tilespmem:v1+s11+$0x0], $0xffff  }
0x1e7: {  	v5 =	vld [tilespmem:s30+$0x10400]  }
0x1e8: {  	v2 =	vadd.f32 v3, v2;
	v3 =	vmul.f32 v7, v8;
	_ =	sdelay $0x1  }
0x1e9: {  	v2 =	vadd.f32 v3, v2;
	v3 =	vmul.f32 v4, v9;
	_ =	sdelay $0x1  }
0x1ea: {  	v2 =	vadd.f32 v3, v2;
	v1 =	vmul.f32 v1, v5;
	_ =	sdelay $0x1  }
0x1eb: {  	v1 =	vadd.f32 v1, v2;
	_ =	sdelay $0x1  }
0x1ec: {  	v1 =	vsub.f32 $0.0e+00, v1;
	_ =	sdelay $0x1  }
0x1ed: {  	v1 =	vmul.f32 $1.442695020e+00, v1;
	_ =	sdelay $0x1  }
0x1ee: {  	(erf) = vpow2.f32 v1;
	_ =	sdelay $0x5  }
.Ltmp2:
0x1ef: {  	(pc) =	sbr.rel @p0 .LBB2_6-.Ltmp2, $3  }
0x1f0: {  	_ =	sdelay $0x1  }
0x1f1: {  	v1 =	vpop (erf)  }
0x1f2: {  	s29 =	sadd.s32 $0x40, s29;
	s30 =	sshra.s32 s28, $0x2;
	v1 =	vadd.f32 $1.000000000e+00, v1  }
0x1f3: {  	v2 =	vld [tilespmem:s30+$0x100]  }
0x1f4: {  	(erf) = vrcp.f32 v1;
	_ =	sdelay $0x1  }
0x1f5: {  	s0 =	sadd.s32 $0x10, s25  }
0x1f6: {  	v1 =	vmov s0  }
0x1f7: {  	v1 =	vshll.u32 v1, $0x7;
	v2 =	vshll.u32 v2, $0x4  }
0x1f8: {  	v1 =	vor.u32 v0, v1;
	v2 =	vand.u32 $0x70, v2  }
0x1f9: {  	s26 =	sadd.s32 $0x80, s26;
	v1 =	vor.u32 v1, v2  }
0x1fa: {  	s31 =	sshll.u32 s26, $0x2  }
0x1fb: {  	s25 =	sand.u32 $0xFFFFF000, s31  }
0x1fc: {  	s28 =	sadd.s32 s28, s25;
	v2 =	vor.u32 $0x1, v1;
	v3 =	vpop (erf)  }
0x1fd: {  	s25 =	sshrl.u32 s25, $0x2;
	s28 =	sadd.s32 $0x4E00, s28;
	[tilespmem:s24+$0x12500] =	vst v3  }
0x1fe: {  	s25 =	sadd.s32 s25, s30;
	s31 =	sshra.s32 s28, $0x2;
	v4 =	vor.u32 $0x2, v1;
	v3 =	vld.idx.msk [tilespmem:v1+s11+$0x0], $0xffff  }
0x1ff: {  	s25 =	sadd.s32 $0x10400, s25;
	v5 =	vld [tilespmem:s31+$0xF080]  }
0x200: {  	v6 =	vor.u32 $0x3, v1;
	v7 =	vld [tilespmem:s25+$0x80]  }
0x201: {  	v2 =	vld.idx.msk [tilespmem:v2+s11+$0x0], $0xffff  }
0x202: {  	v8 =	vor.u32 $0x4, v1;
	v9 =	vld [tilespmem:s25+$0x100]  }
0x203: {  	v4 =	vld.idx.msk [tilespmem:v4+s11+$0x0], $0xffff  }
0x204: {  	v10 =	vor.u32 $0x5, v1;
	v43 =	vld [tilespmem:s25+$0x180];
	v3 =	vmul.f32 v3, v5  }
0x205: {  	v42 =	vld.idx.msk [tilespmem:v6+s11+$0x0], $0xffff  }
0x206: {  	v11 =	vor.u32 $0x6, v1;
	v45 =	vld [tilespmem:s25+$0x200];
	v2 =	vmul.f32 v2, v7;
	v3 =	vadd.f32 $0.0e+00, v3  }
0x207: {  	v44 =	vld.idx.msk [tilespmem:v8+s11+$0x0], $0xffff  }
0x208: {  	v12 =	vor.u32 $0x7, v1;
	v47 =	vld [tilespmem:s25+$0x280];
	v2 =	vadd.f32 v2, v3;
	v3 =	vmul.f32 v4, v9  }
0x209: {  	v46 =	vld.idx.msk [tilespmem:v10+s11+$0x0], $0xffff  }
0x20a: {  	s0 =	sor.u32 s26, s0;
	v48 =	vor.u32 $0x8, v1;
	v50 =	vld [tilespmem:s25+$0x300];
	v2 =	vadd.f32 v3, v2;
	v3 =	vmul.f32 v42, v43  }
0x20b: {  	s0 =	sor.u32 $0x380, s0;
	v49 =	vld.idx.msk [tilespmem:v11+s11+$0x0], $0xffff  }
0x20c: {  	v51 =	vor.u32 $0x9, v1;
	v53 =	vld [tilespmem:s0+$0x10400];
	v2 =	vadd.f32 v3, v2;
	v3 =	vmul.f32 v44, v45  }
0x20d: {  	v52 =	vld.idx.msk [tilespmem:v12+s11+$0x0], $0xffff  }
0x20e: {  	v54 =	vor.u32 $0xA, v1;
	v56 =	vld [tilespmem:s25+$0x1000];
	v2 =	vadd.f32 v3, v2;
	v3 =	vmul.f32 v46, v47  }
0x20f: {  	v55 =	vld.idx.msk [tilespmem:v48+s11+$0x0], $0xffff  }
0x210: {  	v57 =	vor.u32 $0xB, v1;
	v59 =	vld [tilespmem:s25+$0x1080];
	v2 =	vadd.f32 v3, v2;
	v3 =	vmul.f32 v49, v50  }
0x211: {  	v58 =	vld.idx.msk [tilespmem:v51+s11+$0x0], $0xffff  }
0x212: {  	v60 =	vor.u32 $0xC, v1;
	v62 =	vld [tilespmem:s25+$0x1100];
	v2 =	vadd.f32 v3, v2;
	v3 =	vmul.f32 v52, v53  }
0x213: {  	v61 =	vld.idx.msk [tilespmem:v54+s11+$0x0], $0xffff  }
0x214: {  	v63 =	vor.u32 $0xD, v1;
	v14 =	vld [tilespmem:s25+$0x1180];
	v2 =	vadd.f32 v3, v2;
	v3 =	vmul.f32 v55, v56  }
0x215: {  	v13 =	vld.idx.msk [tilespmem:v57+s11+$0x0], $0xffff  }
0x216: {  	v15 =	vor.u32 $0xE, v1;
	v17 =	vld [tilespmem:s25+$0x1200];
	v2 =	vadd.f32 v3, v2;
	v3 =	vmul.f32 v58, v59  }
0x217: {  	v16 =	vld.idx.msk [tilespmem:v60+s11+$0x0], $0xffff  }
0x218: {  	v1 =	vor.u32 $0xF, v1;
	v19 =	vld [tilespmem:s25+$0x1280];
	v2 =	vadd.f32 v3, v2;
	v3 =	vmul.f32 v61, v62  }
0x219: {  	v18 =	vld.idx.msk [tilespmem:v63+s11+$0x0], $0xffff  }
0x21a: {  	v21 =	vld [tilespmem:s25+$0x1300];
	v2 =	vadd.f32 v3, v2;
	v3 =	vmul.f32 v13, v14  }
0x21b: {  	v20 =	vld.idx.msk [tilespmem:v15+s11+$0x0], $0xffff  }
0x21c: {  	v22 =	vld [tilespmem:s31+$0x10400];
	v2 =	vadd.f32 v3, v2;
	v3 =	vmul.f32 v16, v17  }
0x21d: {  	v1 =	vld.idx.msk [tilespmem:v1+s11+$0x0], $0xffff  }
0x21e: {  	v2 =	vadd.f32 v3, v2;
	v3 =	vmul.f32 v18, v19;
	_ =	sdelay $0x1  }
0x21f: {  	v2 =	vadd.f32 v3, v2;
	v3 =	vmul.f32 v20, v21;
	_ =	sdelay $0x1  }
0x220: {  	v1 =	vmul.f32 v1, v22;
	v2 =	vadd.f32 v3, v2;
	_ =	sdelay $0x1  }
0x221: {  	v1 =	vadd.f32 v1, v2;
	_ =	sdelay $0x1  }
0x222: {  	v1 =	vsub.f32 $0.0e+00, v1;
	_ =	sdelay $0x1  }
0x223: {  	v1 =	vmul.f32 $1.442695020e+00, v1;
	_ =	sdelay $0x1  }
0x224: {  	(erf) = vpow2.f32 v1;
	_ =	sdelay $0x8  }
0x225: {  	v1 =	vpop (erf)  }
0x226: {  	v1 =	vadd.f32 $1.000000000e+00, v1;
	_ =	sdelay $0x1  }
0x227: {  	(erf) = vrcp.f32 v1;
	_ =	sdelay $0x8  }
0x228: {  	v1 =	vpop (erf)  }
0x229: {  	[tilespmem:s30+$0x12500] =	vst v1  }
0x22a: {  	_ =	swait.ge [sflag:s21], $0x4000  }
0x22b: {  	[sflag:s21] =	ssyncset.done $0x0  }
0x22c: {  	s24 =	simm.s32 $0x0;
	[sflag:s21] =	ssyncadd.s32 $0xFFFFC000  }
0x22d: {  	v1 =	vld [tilespmem:s24+$0x180];
	_ =	sdelay $0x2  }
0x22e: {  	s25 =	simm.s32 $0x180  }
0x22f: {  	v2 =	vmov s25  }
0x230: {  	v2 =	vshll.u32 v2, $0x7;
	v1 =	vshll.u32 v1, $0x4  }
0x231: {  	s26 =	simm.s32 $0x3000;
	v2 =	vor.u32 v0, v2;
	v1 =	vand.u32 $0x70, v1  }
0x232: {  	s0 =	sand.u32 $0xFFFFF000, s26;
	v1 =	vor.u32 v2, v1  }
0x233: {  	s31 =	sadd.s32 $0x0, s0  }
0x234: {  	s26 =	sadd.s32 $0x4E00, s31;
	v2 =	vor.u32 $0x1, v1  }
0x235: {  	s0 =	sshrl.u32 s0, $0x2;
	s28 =	sshra.s32 s26, $0x2  }
0x236: {  	s0 =	sadd.s32 $0x0, s0;
	v24 =	vld [tilespmem:s28+$0xF080];
	v3 =	vor.u32 $0x2, v1  }
0x237: {  	s29 =	sadd.s32 $0x10400, s0;
	v23 =	vld.idx.msk [tilespmem:v1+s11+$0x0], $0xffff  }
0x238: {  	v26 =	vld [tilespmem:s29+$0x80];
	v25 =	vor.u32 $0x3, v1  }
0x239: {  	v2 =	vld.idx.msk [tilespmem:v2+s11+$0x0], $0xffff  }
0x23a: {  	v28 =	vld [tilespmem:s29+$0x100];
	v27 =	vor.u32 $0x4, v1  }
0x23b: {  	v3 =	vld.idx.msk [tilespmem:v3+s11+$0x0], $0xffff  }
0x23c: {  	v31 =	vld [tilespmem:s29+$0x180];
	v29 =	vor.u32 $0x5, v1;
	v4 =	vmul.f32 v23, v24  }
0x23d: {  	v30 =	vld.idx.msk [tilespmem:v25+s11+$0x0], $0xffff  }
0x23e: {  	v34 =	vld [tilespmem:s29+$0x200];
	v32 =	vor.u32 $0x6, v1;
	v2 =	vmul.f32 v2, v26;
	v4 =	vadd.f32 $0.0e+00, v4  }
0x23f: {  	v33 =	vld.idx.msk [tilespmem:v27+s11+$0x0], $0xffff  }
0x240: {  	v37 =	vld [tilespmem:s29+$0x280];
	v35 =	vor.u32 $0x7, v1;
	v3 =	vmul.f32 v3, v28;
	v2 =	vadd.f32 v2, v4  }
0x241: {  	s26 =	simm.s32 $0xC00;
	v36 =	vld.idx.msk [tilespmem:v29+s11+$0x0], $0xffff  }
0x242: {  	s31 =	sor.u32 s26, s25;
	v40 =	vld [tilespmem:s29+$0x300];
	v38 =	vor.u32 $0x8, v1;
	v2 =	vadd.f32 v3, v2;
	v3 =	vmul.f32 v30, v31  }
0x243: {  	s0 =	sor.u32 $0x380, s31;
	v39 =	vld.idx.msk [tilespmem:v32+s11+$0x0], $0xffff  }
0x244: {  	v43 =	vld [tilespmem:s0+$0x10400];
	v41 =	vor.u32 $0x9, v1;
	v2 =	vadd.f32 v3, v2;
	v3 =	vmul.f32 v33, v34  }
0x245: {  	v42 =	vld.idx.msk [tilespmem:v35+s11+$0x0], $0xffff  }
0x246: {  	v46 =	vld [tilespmem:s29+$0x1000];
	v44 =	vor.u32 $0xA, v1;
	v2 =	vadd.f32 v3, v2;
	v3 =	vmul.f32 v36, v37  }
0x247: {  	v45 =	vld.idx.msk [tilespmem:v38+s11+$0x0], $0xffff  }
0x248: {  	v49 =	vld [tilespmem:s29+$0x1080];
	v47 =	vor.u32 $0xB, v1;
	v2 =	vadd.f32 v3, v2;
	v3 =	vmul.f32 v39, v40  }
0x249: {  	v48 =	vld.idx.msk [tilespmem:v41+s11+$0x0], $0xffff  }
0x24a: {  	v52 =	vld [tilespmem:s29+$0x1100];
	v50 =	vor.u32 $0xC, v1;
	v2 =	vadd.f32 v3, v2;
	v3 =	vmul.f32 v42, v43  }
0x24b: {  	v51 =	vld.idx.msk [tilespmem:v44+s11+$0x0], $0xffff  }
0x24c: {  	v55 =	vld [tilespmem:s29+$0x1180];
	v53 =	vor.u32 $0xD, v1;
	v2 =	vadd.f32 v3, v2;
	v3 =	vmul.f32 v45, v46  }
0x24d: {  	v54 =	vld.idx.msk [tilespmem:v47+s11+$0x0], $0xffff  }
0x24e: {  	v58 =	vld [tilespmem:s29+$0x1200];
	v56 =	vor.u32 $0xE, v1;
	v2 =	vadd.f32 v3, v2;
	v3 =	vmul.f32 v48, v49  }
0x24f: {  	v57 =	vld.idx.msk [tilespmem:v50+s11+$0x0], $0xffff  }
0x250: {  	v60 =	vld [tilespmem:s29+$0x1280];
	v1 =	vor.u32 $0xF, v1;
	v2 =	vadd.f32 v3, v2;
	v3 =	vmul.f32 v51, v52  }
0x251: {  	v59 =	vld.idx.msk [tilespmem:v53+s11+$0x0], $0xffff  }
0x252: {  	v62 =	vld [tilespmem:s29+$0x1300];
	v2 =	vadd.f32 v3, v2;
	v3 =	vmul.f32 v54, v55  }
0x253: {  	v61 =	vld.idx.msk [tilespmem:v56+s11+$0x0], $0xffff  }
0x254: {  	v63 =	vld [tilespmem:s28+$0x10400];
	v2 =	vadd.f32 v3, v2;
	v3 =	vmul.f32 v57, v58  }
0x255: {  	v1 =	vld.idx.msk [tilespmem:v1+s11+$0x0], $0xffff  }
0x256: {  	v2 =	vadd.f32 v3, v2;
	v3 =	vmul.f32 v59, v60;
	_ =	sdelay $0x1  }
0x257: {  	v2 =	vadd.f32 v3, v2;
	v3 =	vmul.f32 v61, v62;
	_ =	sdelay $0x1  }
0x258: {  	v1 =	vmul.f32 v1, v63;
	v2 =	vadd.f32 v3, v2;
	_ =	sdelay $0x1  }
0x259: {  	v1 =	vadd.f32 v1, v2;
	_ =	sdelay $0x1  }
0x25a: {  	v1 =	vsub.f32 $0.0e+00, v1;
	_ =	sdelay $0x1  }
0x25b: {  	v1 =	vmul.f32 $1.442695020e+00, v1;
	_ =	sdelay $0x1  }
0x25c: {  	(erf) = vpow2.f32 v1;
	_ =	sdelay $0x8  }
0x25d: {  	v1 =	vpop (erf)  }
0x25e: {  	s30 =	simm.s32 $0x10;
	s28 =	simm.s32 $0x40;
	s29 =	simm.s32 $0x80;
	v1 =	vadd.f32 $1.000000000e+00, v1  }
.LBB2_8:
0x25f: {  	p0 =	sne.s32 s29, $0x1C0;
	v2 =	vld [tilespmem:s30+$0x180]  }
0x260: {  	(erf) = vrcp.f32 v1;
	_ =	sdelay $0x1  }
0x261: {  	s25 =	sadd.s32 $0x10, s25  }
0x262: {  	v1 =	vmov s25  }
0x263: {  	v1 =	vshll.u32 v1, $0x7;
	v2 =	vshll.u32 v2, $0x4  }
0x264: {  	v1 =	vor.u32 v0, v1;
	v2 =	vand.u32 $0x70, v2  }
0x265: {  	s26 =	sadd.s32 $0x80, s26;
	v1 =	vor.u32 v1, v2  }
0x266: {  	s0 =	sshll.u32 s26, $0x2  }
0x267: {  	s0 =	sand.u32 $0xFFFFF000, s0;
	v2 =	vor.u32 $0x1, v1  }
0x268: {  	s31 =	sadd.s32 s28, s0;
	s28 =	smov.u32 s29;
	v3 =	vpop (erf)  }
0x269: {  	s31 =	sadd.s32 $0x4E00, s31;
	v4 =	vor.u32 $0x2, v1;
	[tilespmem:s24+$0x12580] =	vst v3;
	s24 =	smov.u32 s30  }
0x26a: {  	s0 =	sshrl.u32 s0, $0x2;
	s30 =	sshra.s32 s31, $0x2;
	v3 =	vld.idx.msk [tilespmem:v1+s11+$0x0], $0xffff  }
0x26b: {  	v6 =	vor.u32 $0x3, v1;
	s0 =	sadd.s32 s0, s24;
	v5 =	vld [tilespmem:s30+$0xF080]  }
0x26c: {  	s31 =	sadd.s32 $0x10400, s0;
	v2 =	vld.idx.msk [tilespmem:v2+s11+$0x0], $0xffff  }
0x26d: {  	v8 =	vor.u32 $0x4, v1;
	v7 =	vld [tilespmem:s31+$0x80]  }
0x26e: {  	v4 =	vld.idx.msk [tilespmem:v4+s11+$0x0], $0xffff  }
0x26f: {  	v10 =	vor.u32 $0x5, v1;
	v9 =	vld [tilespmem:s31+$0x100]  }
0x270: {  	v3 =	vmul.f32 v3, v5;
	v5 =	vld.idx.msk [tilespmem:v6+s11+$0x0], $0xffff  }
0x271: {  	v11 =	vor.u32 $0x6, v1;
	v6 =	vld [tilespmem:s31+$0x180]  }
0x272: {  	v3 =	vadd.f32 $0.0e+00, v3;
	v2 =	vmul.f32 v2, v7;
	v7 =	vld.idx.msk [tilespmem:v8+s11+$0x0], $0xffff  }
0x273: {  	v12 =	vor.u32 $0x7, v1;
	v8 =	vld [tilespmem:s31+$0x200]  }
0x274: {  	v2 =	vadd.f32 v2, v3;
	v3 =	vmul.f32 v4, v9;
	v4 =	vld.idx.msk [tilespmem:v10+s11+$0x0], $0xffff  }
0x275: {  	v10 =	vor.u32 $0x8, v1;
	v9 =	vld [tilespmem:s31+$0x280]  }
0x276: {  	v2 =	vadd.f32 v3, v2;
	v3 =	vmul.f32 v5, v6;
	v5 =	vld.idx.msk [tilespmem:v11+s11+$0x0], $0xffff  }
0x277: {  	s0 =	sor.u32 s26, s25;
	v11 =	vor.u32 $0x9, v1;
	v6 =	vld [tilespmem:s31+$0x300]  }
0x278: {  	s0 =	sor.u32 $0x380, s0;
	v2 =	vadd.f32 v3, v2;
	v3 =	vmul.f32 v7, v8;
	v7 =	vld.idx.msk [tilespmem:v12+s11+$0x0], $0xffff  }
0x279: {  	v12 =	vor.u32 $0xA, v1;
	v8 =	vld [tilespmem:s0+$0x10400]  }
0x27a: {  	v2 =	vadd.f32 v3, v2;
	v3 =	vmul.f32 v4, v9;
	v4 =	vld.idx.msk [tilespmem:v10+s11+$0x0], $0xffff  }
0x27b: {  	v10 =	vor.u32 $0xB, v1;
	v9 =	vld [tilespmem:s31+$0x1000]  }
0x27c: {  	v2 =	vadd.f32 v3, v2;
	v3 =	vmul.f32 v5, v6;
	v5 =	vld.idx.msk [tilespmem:v11+s11+$0x0], $0xffff  }
0x27d: {  	v11 =	vor.u32 $0xC, v1;
	v6 =	vld [tilespmem:s31+$0x1080]  }
0x27e: {  	v2 =	vadd.f32 v3, v2;
	v3 =	vmul.f32 v7, v8;
	v7 =	vld.idx.msk [tilespmem:v12+s11+$0x0], $0xffff  }
0x27f: {  	v12 =	vor.u32 $0xD, v1;
	v8 =	vld [tilespmem:s31+$0x1100]  }
0x280: {  	v2 =	vadd.f32 v3, v2;
	v3 =	vmul.f32 v4, v9;
	v4 =	vld.idx.msk [tilespmem:v10+s11+$0x0], $0xffff  }
0x281: {  	v10 =	vor.u32 $0xE, v1;
	v9 =	vld [tilespmem:s31+$0x1180]  }
0x282: {  	v2 =	vadd.f32 v3, v2;
	v3 =	vmul.f32 v5, v6;
	v5 =	vld.idx.msk [tilespmem:v11+s11+$0x0], $0xffff  }
0x283: {  	v1 =	vor.u32 $0xF, v1;
	v6 =	vld [tilespmem:s31+$0x1200]  }
0x284: {  	v2 =	vadd.f32 v3, v2;
	v3 =	vmul.f32 v7, v8;
	v7 =	vld.idx.msk [tilespmem:v12+s11+$0x0], $0xffff  }
0x285: {  	v8 =	vld [tilespmem:s31+$0x1280]  }
0x286: {  	v2 =	vadd.f32 v3, v2;
	v3 =	vmul.f32 v4, v9;
	v4 =	vld.idx.msk [tilespmem:v10+s11+$0x0], $0xffff  }
0x287: {  	v9 =	vld [tilespmem:s31+$0x1300]  }
0x288: {  	v2 =	vadd.f32 v3, v2;
	v3 =	vmul.f32 v5, v6;
	v1 =	vld.idx.msk [tilespmem:v1+s11+$0x0], $0xffff  }
0x289: {  	v5 =	vld [tilespmem:s30+$0x10400]  }
0x28a: {  	v2 =	vadd.f32 v3, v2;
	v3 =	vmul.f32 v7, v8;
	_ =	sdelay $0x1  }
0x28b: {  	v2 =	vadd.f32 v3, v2;
	v3 =	vmul.f32 v4, v9;
	_ =	sdelay $0x1  }
0x28c: {  	v2 =	vadd.f32 v3, v2;
	v1 =	vmul.f32 v1, v5;
	_ =	sdelay $0x1  }
0x28d: {  	v1 =	vadd.f32 v1, v2;
	_ =	sdelay $0x1  }
0x28e: {  	v1 =	vsub.f32 $0.0e+00, v1;
	_ =	sdelay $0x1  }
0x28f: {  	v1 =	vmul.f32 $1.442695020e+00, v1;
	_ =	sdelay $0x1  }
0x290: {  	(erf) = vpow2.f32 v1;
	_ =	sdelay $0x5  }
.Ltmp3:
0x291: {  	(pc) =	sbr.rel @p0 .LBB2_8-.Ltmp3, $3  }
0x292: {  	_ =	sdelay $0x1  }
0x293: {  	v1 =	vpop (erf)  }
0x294: {  	s29 =	sadd.s32 $0x40, s29;
	s30 =	sshra.s32 s28, $0x2;
	v1 =	vadd.f32 $1.000000000e+00, v1  }
0x295: {  	v2 =	vld [tilespmem:s30+$0x180]  }
0x296: {  	(erf) = vrcp.f32 v1;
	_ =	sdelay $0x1  }
0x297: {  	s0 =	sadd.s32 $0x10, s25  }
0x298: {  	v1 =	vmov s0  }
0x299: {  	v1 =	vshll.u32 v1, $0x7;
	v2 =	vshll.u32 v2, $0x4  }
0x29a: {  	v1 =	vor.u32 v0, v1;
	v2 =	vand.u32 $0x70, v2  }
0x29b: {  	s26 =	sadd.s32 $0x80, s26;
	v1 =	vor.u32 v1, v2  }
0x29c: {  	s29 =	sshll.u32 s26, $0x2  }
0x29d: {  	s25 =	sand.u32 $0xFFFFF000, s29  }
0x29e: {  	s28 =	sadd.s32 s28, s25;
	v2 =	vor.u32 $0x1, v1;
	v3 =	vpop (erf)  }
0x29f: {  	s25 =	sshrl.u32 s25, $0x2;
	s28 =	sadd.s32 $0x4E00, s28;
	[tilespmem:s24+$0x12580] =	vst v3  }
0x2a0: {  	s25 =	sadd.s32 s25, s30;
	s31 =	sshra.s32 s28, $0x2;
	v4 =	vor.u32 $0x2, v1;
	v3 =	vld.idx.msk [tilespmem:v1+s11+$0x0], $0xffff  }
0x2a1: {  	s25 =	sadd.s32 $0x10400, s25;
	v5 =	vld [tilespmem:s31+$0xF080]  }
0x2a2: {  	v6 =	vor.u32 $0x3, v1;
	v7 =	vld [tilespmem:s25+$0x80]  }
0x2a3: {  	v2 =	vld.idx.msk [tilespmem:v2+s11+$0x0], $0xffff  }
0x2a4: {  	v8 =	vor.u32 $0x4, v1;
	v9 =	vld [tilespmem:s25+$0x100]  }
0x2a5: {  	v4 =	vld.idx.msk [tilespmem:v4+s11+$0x0], $0xffff  }
0x2a6: {  	v10 =	vor.u32 $0x5, v1;
	v33 =	vld [tilespmem:s25+$0x180];
	v3 =	vmul.f32 v3, v5  }
0x2a7: {  	v32 =	vld.idx.msk [tilespmem:v6+s11+$0x0], $0xffff  }
0x2a8: {  	v11 =	vor.u32 $0x6, v1;
	v35 =	vld [tilespmem:s25+$0x200];
	v2 =	vmul.f32 v2, v7;
	v3 =	vadd.f32 $0.0e+00, v3  }
0x2a9: {  	v34 =	vld.idx.msk [tilespmem:v8+s11+$0x0], $0xffff  }
0x2aa: {  	v12 =	vor.u32 $0x7, v1;
	v37 =	vld [tilespmem:s25+$0x280];
	v2 =	vadd.f32 v2, v3;
	v3 =	vmul.f32 v4, v9  }
0x2ab: {  	v36 =	vld.idx.msk [tilespmem:v10+s11+$0x0], $0xffff  }
0x2ac: {  	s0 =	sor.u32 s26, s0;
	v38 =	vor.u32 $0x8, v1;
	v40 =	vld [tilespmem:s25+$0x300];
	v2 =	vadd.f32 v3, v2;
	v3 =	vmul.f32 v32, v33  }
0x2ad: {  	s0 =	sor.u32 $0x380, s0;
	v39 =	vld.idx.msk [tilespmem:v11+s11+$0x0], $0xffff  }
0x2ae: {  	v41 =	vor.u32 $0x9, v1;
	v43 =	vld [tilespmem:s0+$0x10400];
	v2 =	vadd.f32 v3, v2;
	v3 =	vmul.f32 v34, v35  }
0x2af: {  	v42 =	vld.idx.msk [tilespmem:v12+s11+$0x0], $0xffff  }
0x2b0: {  	v44 =	vor.u32 $0xA, v1;
	v46 =	vld [tilespmem:s25+$0x1000];
	v2 =	vadd.f32 v3, v2;
	v3 =	vmul.f32 v36, v37  }
0x2b1: {  	v45 =	vld.idx.msk [tilespmem:v38+s11+$0x0], $0xffff  }
0x2b2: {  	v47 =	vor.u32 $0xB, v1;
	v49 =	vld [tilespmem:s25+$0x1080];
	v2 =	vadd.f32 v3, v2;
	v3 =	vmul.f32 v39, v40  }
0x2b3: {  	v48 =	vld.idx.msk [tilespmem:v41+s11+$0x0], $0xffff  }
0x2b4: {  	v50 =	vor.u32 $0xC, v1;
	v52 =	vld [tilespmem:s25+$0x1100];
	v2 =	vadd.f32 v3, v2;
	v3 =	vmul.f32 v42, v43  }
0x2b5: {  	v51 =	vld.idx.msk [tilespmem:v44+s11+$0x0], $0xffff  }
0x2b6: {  	v53 =	vor.u32 $0xD, v1;
	v55 =	vld [tilespmem:s25+$0x1180];
	v2 =	vadd.f32 v3, v2;
	v3 =	vmul.f32 v45, v46  }
0x2b7: {  	v54 =	vld.idx.msk [tilespmem:v47+s11+$0x0], $0xffff  }
0x2b8: {  	v56 =	vor.u32 $0xE, v1;
	v58 =	vld [tilespmem:s25+$0x1200];
	v2 =	vadd.f32 v3, v2;
	v3 =	vmul.f32 v48, v49  }
0x2b9: {  	v57 =	vld.idx.msk [tilespmem:v50+s11+$0x0], $0xffff  }
0x2ba: {  	v1 =	vor.u32 $0xF, v1;
	v60 =	vld [tilespmem:s25+$0x1280];
	v2 =	vadd.f32 v3, v2;
	v3 =	vmul.f32 v51, v52  }
0x2bb: {  	v59 =	vld.idx.msk [tilespmem:v53+s11+$0x0], $0xffff  }
0x2bc: {  	v62 =	vld [tilespmem:s25+$0x1300];
	v2 =	vadd.f32 v3, v2;
	v3 =	vmul.f32 v54, v55  }
0x2bd: {  	v61 =	vld.idx.msk [tilespmem:v56+s11+$0x0], $0xffff  }
0x2be: {  	v63 =	vld [tilespmem:s31+$0x10400];
	v2 =	vadd.f32 v3, v2;
	v3 =	vmul.f32 v57, v58  }
0x2bf: {  	v1 =	vld.idx.msk [tilespmem:v1+s11+$0x0], $0xffff  }
0x2c0: {  	v2 =	vadd.f32 v3, v2;
	v3 =	vmul.f32 v59, v60;
	_ =	sdelay $0x1  }
0x2c1: {  	v2 =	vadd.f32 v3, v2;
	v3 =	vmul.f32 v61, v62;
	_ =	sdelay $0x1  }
0x2c2: {  	v1 =	vmul.f32 v1, v63;
	v2 =	vadd.f32 v3, v2;
	_ =	sdelay $0x1  }
0x2c3: {  	v1 =	vadd.f32 v1, v2;
	_ =	sdelay $0x1  }
0x2c4: {  	v1 =	vsub.f32 $0.0e+00, v1;
	_ =	sdelay $0x1  }
0x2c5: {  	v1 =	vmul.f32 $1.442695020e+00, v1;
	_ =	sdelay $0x1  }
0x2c6: {  	(erf) = vpow2.f32 v1;
	_ =	sdelay $0x8  }
0x2c7: {  	v1 =	vpop (erf)  }
0x2c8: {  	v1 =	vadd.f32 $1.000000000e+00, v1;
	_ =	sdelay $0x1  }
0x2c9: {  	(erf) = vrcp.f32 v1;
	_ =	sdelay $0x7  }
0x2ca: {  	s23 =	sadd.s32 $0x1, s23  }
0x2cb: {  	p0 =	sne.s32 s23, s7;
	v1 =	vpop (erf)  }
.Ltmp4:
0x2cc: {  	[tilespmem:s30+$0x12580] =	vst v1;
	(pc) =	sbr.rel @p0 .LBB2_1-.Ltmp4, $4  }
0x2cd: {  	[hbm4b:s6+s2] =	stream.linear.scatter [tilespmem:s22], [sflag:$0x2], $0x200, $0x38;
	[tilespmem:$0x12600] =	vst v63  }
0x2ce: {  	_ =	swait.ge [sflag:s8], $0x200  }
0x2cf: {  	[sflag:s8] =	ssyncset.done $0x0  }
0x2d0: {  	[sflag:s8] =	ssyncadd.s32 $0xFFFFFE00  }
0x2d1: {  	_ =	sfence.sel $0x180000  }
0x2d2: {  	[bflag:$0x0] =	sbarrier.arrive $0xFFFF  }
0x2d3: {  	_ =	strace $0x90000047  }
0x2d4: {  	[bflag:$0x2] =	sbarrier.arrive $0xFFFF  }
0x2d5: {  	p0 =	sne.s32 s1, $0x0;
	s0 =	rddreg [dreg:$0x4]  }
0x2d6: {  	s0 =	sadd.s32 @!p0 $0x100000, s0  }
0x2d7: {  	[sflag:s0] =	ssyncadd.tile.s32 @!p0 $0x1;
	_ =	shalt  }
.Lfunc_end2:
_tile_overlayer_lowered:
.L_overlay_start_2:
0x2d8: {  	(tag) =	ssettag $0x2  }
0x2d9: {  	s0 =	rddreg [dreg:$0x0];
	s2 =	stileid.u32  }
0x2da: {  	s1 =	rddreg [dreg:$0x1];
	p0 =	sne.s32 s2, $0x0  }
0x2db: {  	s3 =	rddreg [dreg:$0x2];
	[bflag:$0x3] =	sbarrier.arrive $0xFFFF;
	s2 =	simm.s32 @!p0 $0x1C02  }
0x2dc: {  	[timem:s3], [sflag:s2] =	dma.local @!p0 [hbm:s0], s1  }
0x2dd: {  	s0 =	simm.s32 @!p0 $0x2  }
0x2de: {  	_ =	swait.ge @!p0 [sflag:s0], s1  }
0x2df: {  	s1 =	ssub.s32 @!p0 $0x0, s1;
	[sflag:s0] =	ssyncset.done @!p0 $0x0  }
0x2e0: {  	[sflag:s0] =	ssyncadd.s32 @!p0 s1  }
0x2e1: {  	[bflag:$0x3] =	sbarrier.arrive $0xFFFF  }
0x2e2: {  	_ =	shalt  }

</sc_bundles>
